<compile_context>
chip_gen: v7x
topology: tpu7x:2x2x1
jax: 0.10.2.dev20260603
libtpu: 0.0.44.dev20260713+nightly
codegen_flags: <defaults>
</compile_context>

<pallas_src>
import functools

import jax
import jax.numpy as jnp
from jax import lax
from jax.experimental import pallas as pl
from jax.experimental.pallas import tpu as pltpu
from jax.experimental.pallas import tpu_sc as plsc

_NUM_CORES = 2
_NUM_SUBCORES = 16
_NW = _NUM_CORES * _NUM_SUBCORES
_CHUNK = 32
_GSUB = 1
_NBUF = 7


@functools.partial(jax.jit, static_argnames=())
def _sc_gather(idx_flat, codebook):
    B = idx_flat.shape[0]
    V, D = codebook.shape
    b_per_w = B // _NW
    n_chunks = b_per_w // _CHUNK
    C = _CHUNK
    mesh = plsc.VectorSubcoreMesh(core_axis_name="c", subcore_axis_name="s")

    nb = _NBUF
    ns = _GSUB
    S = C // ns
    row_bufs = [pltpu.VMEM((C, D), jnp.float32) for _ in range(nb)]
    g_sems = [pltpu.SemaphoreType.DMA for _ in range(nb)]
    w_sems = [pltpu.SemaphoreType.DMA for _ in range(nb)]

    @functools.partial(
        pl.kernel,
        out_type=jax.ShapeDtypeStruct((B, D), jnp.float32),
        mesh=mesh,
        scratch_types=[pltpu.VMEM((b_per_w,), jnp.int32)] + row_bufs + g_sems + w_sems,
    )
    def k(table_hbm, idx_hbm, out_hbm, idx_v, *bufs_and_sems):
        rows = bufs_and_sems[:nb]
        sg = bufs_and_sems[nb : 2 * nb]
        sw = bufs_and_sems[2 * nb : 3 * nb]
        wid = lax.axis_index("s") * _NUM_CORES + lax.axis_index("c")
        base = wid * b_per_w
        pltpu.sync_copy(idx_hbm.at[pl.ds(base, b_per_w)], idx_v)

        def gather(off, b):
            for h in range(ns):
                pltpu.async_copy(
                    table_hbm.at[idx_v.at[pl.ds(off + h * S, S)]],
                    rows[b].at[pl.ds(h * S, S)],
                    sg[b],
                )

        def wait_gather(b):
            for h in range(ns):
                pltpu.make_async_copy(
                    table_hbm.at[idx_v.at[pl.ds(0, S)]],
                    rows[b].at[pl.ds(0, S)],
                    sg[b],
                ).wait()

        def write(off, b):
            pltpu.async_copy(rows[b], out_hbm.at[pl.ds(base + off, C)], sw[b])

        def wait_write(b):
            pltpu.make_async_copy(rows[b], out_hbm.at[pl.ds(base, C)], sw[b]).wait()

        for b in range(nb):
            gather(b * C, b)

        n_main = (n_chunks // nb) - 1
        tail = n_chunks - (n_main + 1) * nb

        lag = 3
        @pl.loop(0, n_main)
        def _(g):
            off = g * nb * C
            for b in range(nb):
                wait_gather(b)
                write(off + b * C, b)
                bb = b - lag
                if bb >= 0:
                    wait_write(bb)
                    gather(off + (nb + bb) * C, bb)
            for bb in range(nb - lag, nb):
                wait_write(bb)
                gather(off + (nb + bb) * C, bb)

        last = n_main * nb * C
        for b in range(nb):
            wait_gather(b)
            write(last + b * C, b)
        for b in range(tail):
            wait_write(b)
            gather(last + (nb + b) * C, b)
        for b in range(tail):
            wait_gather(b)
            write(last + (nb + b) * C, b)
        for b in range(nb):
            wait_write(b)

    return k(codebook, idx_flat)


def kernel(indices, codebook):
    shape = indices.shape
    idx_flat = indices.reshape(-1).astype(jnp.int32)
    out = _sc_gather(idx_flat, codebook.astype(jnp.float32))
    return out.reshape(*shape, codebook.shape[1])

# --- scband reference (transcript-rebuilt; emitter-appended) ---
"""Pipeline reference for scband-mock-vqvae-49374944035349 (READ-ONLY COPY).

The authoritative reference and input builder live on the scoring server;
editing this copy changes nothing except your own understanding.
"""

import jax, jax.numpy as jnp
import numpy as np

NUM_EMBEDDINGS = 8192
EMBEDDING_DIM = 512

def setup_inputs(seed: int = 0) -> dict:
    key = jax.random.key(seed)
    k1, _ = jax.random.split(key)
    indices = jax.random.randint(k1, (256, 16, 16), 0, NUM_EMBEDDINGS, dtype=jnp.int64 if jax.config.jax_enable_x64 else jnp.int32)
    # Faithful to the torch init: row i = ones(dim) * (i / num_embeddings)
    row_vals = jnp.arange(NUM_EMBEDDINGS, dtype=jnp.float32) / NUM_EMBEDDINGS
    codebook = jnp.broadcast_to(row_vals[:, None], (NUM_EMBEDDINGS, EMBEDDING_DIM)).copy()
    return {"indices": indices, "codebook": codebook}

def reference(indices, codebook):
    # MockVQVAE.decode embedding lookup: self.codebook(indices)
    embeddings = jnp.take(codebook, indices, axis=0)
    return embeddings

if __name__ == "__main__":
    import jax
    _d = setup_inputs()
    print(jax.jit(kernel)(*tuple(_d.values())))

</pallas_src>

<mosaic_0001>
#map = affine_map<(d0, d1) -> (0, 0)>
#map1 = affine_map<(d0, d1) -> (0)>
module attributes {stable_mosaic.version = 14 : i64} {
  func.func @k(%arg0: i32, %arg1: i32, %arg2: memref<8192x512xf32, #tpu.memory_space<hbm>>, %arg3: memref<65536xi32, #tpu.memory_space<hbm>>, %arg4: memref<65536x512xf32, #tpu.memory_space<hbm>>, %arg5: memref<2048xi32, #tpu.memory_space<vmem>>, %arg6: memref<32x512xf32, #tpu.memory_space<vmem>>, %arg7: memref<32x512xf32, #tpu.memory_space<vmem>>, %arg8: memref<32x512xf32, #tpu.memory_space<vmem>>, %arg9: memref<32x512xf32, #tpu.memory_space<vmem>>, %arg10: memref<32x512xf32, #tpu.memory_space<vmem>>, %arg11: memref<32x512xf32, #tpu.memory_space<vmem>>, %arg12: memref<32x512xf32, #tpu.memory_space<vmem>>, %arg13: memref<!tpu.dma_semaphore, #tpu.memory_space<semaphore_mem>>, %arg14: memref<!tpu.dma_semaphore, #tpu.memory_space<semaphore_mem>>, %arg15: memref<!tpu.dma_semaphore, #tpu.memory_space<semaphore_mem>>, %arg16: memref<!tpu.dma_semaphore, #tpu.memory_space<semaphore_mem>>, %arg17: memref<!tpu.dma_semaphore, #tpu.memory_space<semaphore_mem>>, %arg18: memref<!tpu.dma_semaphore, #tpu.memory_space<semaphore_mem>>, %arg19: memref<!tpu.dma_semaphore, #tpu.memory_space<semaphore_mem>>, %arg20: memref<!tpu.dma_semaphore, #tpu.memory_space<semaphore_mem>>, %arg21: memref<!tpu.dma_semaphore, #tpu.memory_space<semaphore_mem>>, %arg22: memref<!tpu.dma_semaphore, #tpu.memory_space<semaphore_mem>>, %arg23: memref<!tpu.dma_semaphore, #tpu.memory_space<semaphore_mem>>, %arg24: memref<!tpu.dma_semaphore, #tpu.memory_space<semaphore_mem>>, %arg25: memref<!tpu.dma_semaphore, #tpu.memory_space<semaphore_mem>>, %arg26: memref<!tpu.dma_semaphore, #tpu.memory_space<semaphore_mem>>) attributes {dimension_semantics = [#tpu.dimension_semantics<core_parallel>, #tpu.dimension_semantics<subcore_parallel>], iteration_bounds = array<i64: 2, 16>, scalar_prefetch = 0 : i64, scratch_operands = 22 : i64, tpu.core_type = #tpu.core_type<sc_vector_subcore>, window_params = [{transform_indices = #map}, {transform_indices = #map1}, {transform_indices = #map}]} {
    %mul3A = arith.constant 2 : i32
    %mul3A_0 = arith.muli %arg1, %mul3A : i32
    %add3A = arith.addi %mul3A_0, %arg0 : i32
    %mul3A_1 = arith.constant 2048 : i32
    %mul3A_2 = arith.muli %add3A, %mul3A_1 : i32
    "tpu.region"() ({
      %run_scoped3A = tpu.sem_alloc : memref<!tpu.dma_semaphore, #tpu.memory_space<semaphore_mem>>
      %dma_start3A_213 = tpu.memref_slice %arg3[%mul3A_2] : memref<65536xi32, #tpu.memory_space<hbm>> -> memref<2048xi32, #tpu.memory_space<hbm>>
      %dma_start3A_214 = tpu.memref_slice %arg3[%mul3A_2] : memref<65536xi32, #tpu.memory_space<hbm>> -> memref<2048xi32, #tpu.memory_space<hbm>>
      tpu.enqueue_dma source(%dma_start3A_214 : memref<2048xi32, #tpu.memory_space<hbm>>) target(%arg5 : memref<2048xi32, #tpu.memory_space<vmem>>) target_semaphore(%run_scoped3A : memref<!tpu.dma_semaphore, #tpu.memory_space<semaphore_mem>>)
      %dma_wait3A_215 = tpu.memref_slice %arg3[%mul3A_2] : memref<65536xi32, #tpu.memory_space<hbm>> -> memref<2048xi32, #tpu.memory_space<hbm>>
      %dma_wait3A_216 = tpu.memref_slice %arg3[%mul3A_2] : memref<65536xi32, #tpu.memory_space<hbm>> -> memref<2048xi32, #tpu.memory_space<hbm>>
      tpu.wait_dma2 semaphore(%run_scoped3A : memref<!tpu.dma_semaphore, #tpu.memory_space<semaphore_mem>>) src(%dma_wait3A_216 : memref<2048xi32, #tpu.memory_space<hbm>>) dst(%arg5 : memref<2048xi32, #tpu.memory_space<vmem>>)
      tpu.yield
    }) : () -> ()
    %dma_start3A = arith.constant 0 : i32
    %dma_start3A_3 = arith.constant 0 : i32
    %dma_start3A_4 = tpu.memref_slice %arg6[%dma_start3A, %dma_start3A_3] : memref<32x512xf32, #tpu.memory_space<vmem>> -> memref<32x512xf32, #tpu.memory_space<vmem>>
    %dma_start3A_5 = arith.constant 0 : i32
    %dma_start3A_6 = tpu.memref_slice %arg5[%dma_start3A_5] : memref<2048xi32, #tpu.memory_space<vmem>> -> memref<32xi32, #tpu.memory_space<vmem>>
    %dma_start3A_7 = arith.constant 0 : i32
    %dma_start3A_8 = arith.constant 0 : i32
    %dma_start3A_9 = tpu.memref_slice %arg2[%dma_start3A_7, %dma_start3A_8] : memref<8192x512xf32, #tpu.memory_space<hbm>> -> memref<8192x512xf32, #tpu.memory_space<hbm>>
    tpu.enqueue_indirect_dma source(%dma_start3A_9 : memref<8192x512xf32, #tpu.memory_space<hbm>>) target(%dma_start3A_4 : memref<32x512xf32, #tpu.memory_space<vmem>>) offsets(%dma_start3A_6 : memref<32xi32, #tpu.memory_space<vmem>>) semaphore(%arg13 : memref<!tpu.dma_semaphore, #tpu.memory_space<semaphore_mem>>)
    %dma_start3A_10 = arith.constant 0 : i32
    %dma_start3A_11 = arith.constant 0 : i32
    %dma_start3A_12 = tpu.memref_slice %arg7[%dma_start3A_10, %dma_start3A_11] : memref<32x512xf32, #tpu.memory_space<vmem>> -> memref<32x512xf32, #tpu.memory_space<vmem>>
    %dma_start3A_13 = arith.constant 32 : i32
    %dma_start3A_14 = tpu.memref_slice %arg5[%dma_start3A_13] : memref<2048xi32, #tpu.memory_space<vmem>> -> memref<32xi32, #tpu.memory_space<vmem>>
    %dma_start3A_15 = arith.constant 0 : i32
    %dma_start3A_16 = arith.constant 0 : i32
    %dma_start3A_17 = tpu.memref_slice %arg2[%dma_start3A_15, %dma_start3A_16] : memref<8192x512xf32, #tpu.memory_space<hbm>> -> memref<8192x512xf32, #tpu.memory_space<hbm>>
    tpu.enqueue_indirect_dma source(%dma_start3A_17 : memref<8192x512xf32, #tpu.memory_space<hbm>>) target(%dma_start3A_12 : memref<32x512xf32, #tpu.memory_space<vmem>>) offsets(%dma_start3A_14 : memref<32xi32, #tpu.memory_space<vmem>>) semaphore(%arg14 : memref<!tpu.dma_semaphore, #tpu.memory_space<semaphore_mem>>)
    %dma_start3A_18 = arith.constant 0 : i32
    %dma_start3A_19 = arith.constant 0 : i32
    %dma_start3A_20 = tpu.memref_slice %arg8[%dma_start3A_18, %dma_start3A_19] : memref<32x512xf32, #tpu.memory_space<vmem>> -> memref<32x512xf32, #tpu.memory_space<vmem>>
    %dma_start3A_21 = arith.constant 64 : i32
    %dma_start3A_22 = tpu.memref_slice %arg5[%dma_start3A_21] : memref<2048xi32, #tpu.memory_space<vmem>> -> memref<32xi32, #tpu.memory_space<vmem>>
    %dma_start3A_23 = arith.constant 0 : i32
    %dma_start3A_24 = arith.constant 0 : i32
    %dma_start3A_25 = tpu.memref_slice %arg2[%dma_start3A_23, %dma_start3A_24] : memref<8192x512xf32, #tpu.memory_space<hbm>> -> memref<8192x512xf32, #tpu.memory_space<hbm>>
    tpu.enqueue_indirect_dma source(%dma_start3A_25 : memref<8192x512xf32, #tpu.memory_space<hbm>>) target(%dma_start3A_20 : memref<32x512xf32, #tpu.memory_space<vmem>>) offsets(%dma_start3A_22 : memref<32xi32, #tpu.memory_space<vmem>>) semaphore(%arg15 : memref<!tpu.dma_semaphore, #tpu.memory_space<semaphore_mem>>)
    %dma_start3A_26 = arith.constant 0 : i32
    %dma_start3A_27 = arith.constant 0 : i32
    %dma_start3A_28 = tpu.memref_slice %arg9[%dma_start3A_26, %dma_start3A_27] : memref<32x512xf32, #tpu.memory_space<vmem>> -> memref<32x512xf32, #tpu.memory_space<vmem>>
    %dma_start3A_29 = arith.constant 96 : i32
    %dma_start3A_30 = tpu.memref_slice %arg5[%dma_start3A_29] : memref<2048xi32, #tpu.memory_space<vmem>> -> memref<32xi32, #tpu.memory_space<vmem>>
    %dma_start3A_31 = arith.constant 0 : i32
    %dma_start3A_32 = arith.constant 0 : i32
    %dma_start3A_33 = tpu.memref_slice %arg2[%dma_start3A_31, %dma_start3A_32] : memref<8192x512xf32, #tpu.memory_space<hbm>> -> memref<8192x512xf32, #tpu.memory_space<hbm>>
    tpu.enqueue_indirect_dma source(%dma_start3A_33 : memref<8192x512xf32, #tpu.memory_space<hbm>>) target(%dma_start3A_28 : memref<32x512xf32, #tpu.memory_space<vmem>>) offsets(%dma_start3A_30 : memref<32xi32, #tpu.memory_space<vmem>>) semaphore(%arg16 : memref<!tpu.dma_semaphore, #tpu.memory_space<semaphore_mem>>)
    %dma_start3A_34 = arith.constant 0 : i32
    %dma_start3A_35 = arith.constant 0 : i32
    %dma_start3A_36 = tpu.memref_slice %arg10[%dma_start3A_34, %dma_start3A_35] : memref<32x512xf32, #tpu.memory_space<vmem>> -> memref<32x512xf32, #tpu.memory_space<vmem>>
    %dma_start3A_37 = arith.constant 128 : i32
    %dma_start3A_38 = tpu.memref_slice %arg5[%dma_start3A_37] : memref<2048xi32, #tpu.memory_space<vmem>> -> memref<32xi32, #tpu.memory_space<vmem>>
    %dma_start3A_39 = arith.constant 0 : i32
    %dma_start3A_40 = arith.constant 0 : i32
    %dma_start3A_41 = tpu.memref_slice %arg2[%dma_start3A_39, %dma_start3A_40] : memref<8192x512xf32, #tpu.memory_space<hbm>> -> memref<8192x512xf32, #tpu.memory_space<hbm>>
    tpu.enqueue_indirect_dma source(%dma_start3A_41 : memref<8192x512xf32, #tpu.memory_space<hbm>>) target(%dma_start3A_36 : memref<32x512xf32, #tpu.memory_space<vmem>>) offsets(%dma_start3A_38 : memref<32xi32, #tpu.memory_space<vmem>>) semaphore(%arg17 : memref<!tpu.dma_semaphore, #tpu.memory_space<semaphore_mem>>)
    %dma_start3A_42 = arith.constant 0 : i32
    %dma_start3A_43 = arith.constant 0 : i32
    %dma_start3A_44 = tpu.memref_slice %arg11[%dma_start3A_42, %dma_start3A_43] : memref<32x512xf32, #tpu.memory_space<vmem>> -> memref<32x512xf32, #tpu.memory_space<vmem>>
    %dma_start3A_45 = arith.constant 160 : i32
    %dma_start3A_46 = tpu.memref_slice %arg5[%dma_start3A_45] : memref<2048xi32, #tpu.memory_space<vmem>> -> memref<32xi32, #tpu.memory_space<vmem>>
    %dma_start3A_47 = arith.constant 0 : i32
    %dma_start3A_48 = arith.constant 0 : i32
    %dma_start3A_49 = tpu.memref_slice %arg2[%dma_start3A_47, %dma_start3A_48] : memref<8192x512xf32, #tpu.memory_space<hbm>> -> memref<8192x512xf32, #tpu.memory_space<hbm>>
    tpu.enqueue_indirect_dma source(%dma_start3A_49 : memref<8192x512xf32, #tpu.memory_space<hbm>>) target(%dma_start3A_44 : memref<32x512xf32, #tpu.memory_space<vmem>>) offsets(%dma_start3A_46 : memref<32xi32, #tpu.memory_space<vmem>>) semaphore(%arg18 : memref<!tpu.dma_semaphore, #tpu.memory_space<semaphore_mem>>)
    %dma_start3A_50 = arith.constant 0 : i32
    %dma_start3A_51 = arith.constant 0 : i32
    %dma_start3A_52 = tpu.memref_slice %arg12[%dma_start3A_50, %dma_start3A_51] : memref<32x512xf32, #tpu.memory_space<vmem>> -> memref<32x512xf32, #tpu.memory_space<vmem>>
    %dma_start3A_53 = arith.constant 192 : i32
    %dma_start3A_54 = tpu.memref_slice %arg5[%dma_start3A_53] : memref<2048xi32, #tpu.memory_space<vmem>> -> memref<32xi32, #tpu.memory_space<vmem>>
    %dma_start3A_55 = arith.constant 0 : i32
    %dma_start3A_56 = arith.constant 0 : i32
    %dma_start3A_57 = tpu.memref_slice %arg2[%dma_start3A_55, %dma_start3A_56] : memref<8192x512xf32, #tpu.memory_space<hbm>> -> memref<8192x512xf32, #tpu.memory_space<hbm>>
    tpu.enqueue_indirect_dma source(%dma_start3A_57 : memref<8192x512xf32, #tpu.memory_space<hbm>>) target(%dma_start3A_52 : memref<32x512xf32, #tpu.memory_space<vmem>>) offsets(%dma_start3A_54 : memref<32xi32, #tpu.memory_space<vmem>>) semaphore(%arg19 : memref<!tpu.dma_semaphore, #tpu.memory_space<semaphore_mem>>)
    %scan3A = arith.constant 0 : i32
    %scan3A_58 = arith.constant 8 : i32
    %scan3A_59 = arith.addi %scan3A, %scan3A_58 : i32
    %scan3A_60 = arith.constant 1 : i32
    scf.for %scan3A_213 = %scan3A to %scan3A_59 step %scan3A_60  : i32 {
      %mul3A_214 = arith.constant 1 : i32
      %mul3A_215 = arith.muli %scan3A_213, %mul3A_214 : i32
      %add3A_216 = arith.constant 0 : i32
      %add3A_217 = arith.addi %add3A_216, %mul3A_215 : i32
      %mul3A_218 = arith.constant 7 : i32
      %mul3A_219 = arith.muli %add3A_217, %mul3A_218 : i32
      %mul3A_220 = arith.constant 32 : i32
      %mul3A_221 = arith.muli %mul3A_219, %mul3A_220 : i32
      %dma_wait3A_222 = arith.constant 0 : i32
      %dma_wait3A_223 = arith.constant 0 : i32
      %dma_wait3A_224 = tpu.memref_slice %arg6[%dma_wait3A_222, %dma_wait3A_223] : memref<32x512xf32, #tpu.memory_space<vmem>> -> memref<32x512xf32, #tpu.memory_space<vmem>>
      %dma_wait3A_225 = arith.constant 0 : i32
      %dma_wait3A_226 = tpu.memref_slice %arg5[%dma_wait3A_225] : memref<2048xi32, #tpu.memory_space<vmem>> -> memref<32xi32, #tpu.memory_space<vmem>>
      %dma_wait3A_227 = arith.constant 0 : i32
      %dma_wait3A_228 = arith.constant 0 : i32
      %dma_wait3A_229 = tpu.memref_slice %arg2[%dma_wait3A_227, %dma_wait3A_228] : memref<8192x512xf32, #tpu.memory_space<hbm>> -> memref<8192x512xf32, #tpu.memory_space<hbm>>
      tpu.wait_indirect_dma semaphore(%arg13 : memref<!tpu.dma_semaphore, #tpu.memory_space<semaphore_mem>>) src(%dma_wait3A_229 : memref<8192x512xf32, #tpu.memory_space<hbm>>) dst(%dma_wait3A_224 : memref<32x512xf32, #tpu.memory_space<vmem>>)
      %add3A_230 = arith.constant 0 : i32
      %add3A_231 = arith.addi %mul3A_221, %add3A_230 : i32
      %add3A_232 = arith.addi %mul3A_2, %add3A_231 : i32
      %dma_start3A_233 = arith.constant 0 : i32
      %dma_start3A_234 = tpu.memref_slice %arg4[%add3A_232, %dma_start3A_233] : memref<65536x512xf32, #tpu.memory_space<hbm>> -> memref<32x512xf32, #tpu.memory_space<hbm>>
      %dma_start3A_235 = arith.constant 0 : i32
      %dma_start3A_236 = tpu.memref_slice %arg4[%add3A_232, %dma_start3A_235] : memref<65536x512xf32, #tpu.memory_space<hbm>> -> memref<32x512xf32, #tpu.memory_space<hbm>>
      tpu.enqueue_dma source(%arg6 : memref<32x512xf32, #tpu.memory_space<vmem>>) target(%dma_start3A_236 : memref<32x512xf32, #tpu.memory_space<hbm>>) target_semaphore(%arg20 : memref<!tpu.dma_semaphore, #tpu.memory_space<semaphore_mem>>)
      %dma_wait3A_237 = arith.constant 0 : i32
      %dma_wait3A_238 = arith.constant 0 : i32
      %dma_wait3A_239 = tpu.memref_slice %arg7[%dma_wait3A_237, %dma_wait3A_238] : memref<32x512xf32, #tpu.memory_space<vmem>> -> memref<32x512xf32, #tpu.memory_space<vmem>>
      %dma_wait3A_240 = arith.constant 0 : i32
      %dma_wait3A_241 = tpu.memref_slice %arg5[%dma_wait3A_240] : memref<2048xi32, #tpu.memory_space<vmem>> -> memref<32xi32, #tpu.memory_space<vmem>>
      %dma_wait3A_242 = arith.constant 0 : i32
      %dma_wait3A_243 = arith.constant 0 : i32
      %dma_wait3A_244 = tpu.memref_slice %arg2[%dma_wait3A_242, %dma_wait3A_243] : memref<8192x512xf32, #tpu.memory_space<hbm>> -> memref<8192x512xf32, #tpu.memory_space<hbm>>
      tpu.wait_indirect_dma semaphore(%arg14 : memref<!tpu.dma_semaphore, #tpu.memory_space<semaphore_mem>>) src(%dma_wait3A_244 : memref<8192x512xf32, #tpu.memory_space<hbm>>) dst(%dma_wait3A_239 : memref<32x512xf32, #tpu.memory_space<vmem>>)
      %add3A_245 = arith.constant 32 : i32
      %add3A_246 = arith.addi %mul3A_221, %add3A_245 : i32
      %add3A_247 = arith.addi %mul3A_2, %add3A_246 : i32
      %dma_start3A_248 = arith.constant 0 : i32
      %dma_start3A_249 = tpu.memref_slice %arg4[%add3A_247, %dma_start3A_248] : memref<65536x512xf32, #tpu.memory_space<hbm>> -> memref<32x512xf32, #tpu.memory_space<hbm>>
      %dma_start3A_250 = arith.constant 0 : i32
      %dma_start3A_251 = tpu.memref_slice %arg4[%add3A_247, %dma_start3A_250] : memref<65536x512xf32, #tpu.memory_space<hbm>> -> memref<32x512xf32, #tpu.memory_space<hbm>>
      tpu.enqueue_dma source(%arg7 : memref<32x512xf32, #tpu.memory_space<vmem>>) target(%dma_start3A_251 : memref<32x512xf32, #tpu.memory_space<hbm>>) target_semaphore(%arg21 : memref<!tpu.dma_semaphore, #tpu.memory_space<semaphore_mem>>)
      %dma_wait3A_252 = arith.constant 0 : i32
      %dma_wait3A_253 = arith.constant 0 : i32
      %dma_wait3A_254 = tpu.memref_slice %arg8[%dma_wait3A_252, %dma_wait3A_253] : memref<32x512xf32, #tpu.memory_space<vmem>> -> memref<32x512xf32, #tpu.memory_space<vmem>>
      %dma_wait3A_255 = arith.constant 0 : i32
      %dma_wait3A_256 = tpu.memref_slice %arg5[%dma_wait3A_255] : memref<2048xi32, #tpu.memory_space<vmem>> -> memref<32xi32, #tpu.memory_space<vmem>>
      %dma_wait3A_257 = arith.constant 0 : i32
      %dma_wait3A_258 = arith.constant 0 : i32
      %dma_wait3A_259 = tpu.memref_slice %arg2[%dma_wait3A_257, %dma_wait3A_258] : memref<8192x512xf32, #tpu.memory_space<hbm>> -> memref<8192x512xf32, #tpu.memory_space<hbm>>
      tpu.wait_indirect_dma semaphore(%arg15 : memref<!tpu.dma_semaphore, #tpu.memory_space<semaphore_mem>>) src(%dma_wait3A_259 : memref<8192x512xf32, #tpu.memory_space<hbm>>) dst(%dma_wait3A_254 : memref<32x512xf32, #tpu.memory_space<vmem>>)
      %add3A_260 = arith.constant 64 : i32
      %add3A_261 = arith.addi %mul3A_221, %add3A_260 : i32
      %add3A_262 = arith.addi %mul3A_2, %add3A_261 : i32
      %dma_start3A_263 = arith.constant 0 : i32
      %dma_start3A_264 = tpu.memref_slice %arg4[%add3A_262, %dma_start3A_263] : memref<65536x512xf32, #tpu.memory_space<hbm>> -> memref<32x512xf32, #tpu.memory_space<hbm>>
      %dma_start3A_265 = arith.constant 0 : i32
      %dma_start3A_266 = tpu.memref_slice %arg4[%add3A_262, %dma_start3A_265] : memref<65536x512xf32, #tpu.memory_space<hbm>> -> memref<32x512xf32, #tpu.memory_space<hbm>>
      tpu.enqueue_dma source(%arg8 : memref<32x512xf32, #tpu.memory_space<vmem>>) target(%dma_start3A_266 : memref<32x512xf32, #tpu.memory_space<hbm>>) target_semaphore(%arg22 : memref<!tpu.dma_semaphore, #tpu.memory_space<semaphore_mem>>)
      %dma_wait3A_267 = arith.constant 0 : i32
      %dma_wait3A_268 = arith.constant 0 : i32
      %dma_wait3A_269 = tpu.memref_slice %arg9[%dma_wait3A_267, %dma_wait3A_268] : memref<32x512xf32, #tpu.memory_space<vmem>> -> memref<32x512xf32, #tpu.memory_space<vmem>>
      %dma_wait3A_270 = arith.constant 0 : i32
      %dma_wait3A_271 = tpu.memref_slice %arg5[%dma_wait3A_270] : memref<2048xi32, #tpu.memory_space<vmem>> -> memref<32xi32, #tpu.memory_space<vmem>>
      %dma_wait3A_272 = arith.constant 0 : i32
      %dma_wait3A_273 = arith.constant 0 : i32
      %dma_wait3A_274 = tpu.memref_slice %arg2[%dma_wait3A_272, %dma_wait3A_273] : memref<8192x512xf32, #tpu.memory_space<hbm>> -> memref<8192x512xf32, #tpu.memory_space<hbm>>
      tpu.wait_indirect_dma semaphore(%arg16 : memref<!tpu.dma_semaphore, #tpu.memory_space<semaphore_mem>>) src(%dma_wait3A_274 : memref<8192x512xf32, #tpu.memory_space<hbm>>) dst(%dma_wait3A_269 : memref<32x512xf32, #tpu.memory_space<vmem>>)
      %add3A_275 = arith.constant 96 : i32
      %add3A_276 = arith.addi %mul3A_221, %add3A_275 : i32
      %add3A_277 = arith.addi %mul3A_2, %add3A_276 : i32
      %dma_start3A_278 = arith.constant 0 : i32
      %dma_start3A_279 = tpu.memref_slice %arg4[%add3A_277, %dma_start3A_278] : memref<65536x512xf32, #tpu.memory_space<hbm>> -> memref<32x512xf32, #tpu.memory_space<hbm>>
      %dma_start3A_280 = arith.constant 0 : i32
      %dma_start3A_281 = tpu.memref_slice %arg4[%add3A_277, %dma_start3A_280] : memref<65536x512xf32, #tpu.memory_space<hbm>> -> memref<32x512xf32, #tpu.memory_space<hbm>>
      tpu.enqueue_dma source(%arg9 : memref<32x512xf32, #tpu.memory_space<vmem>>) target(%dma_start3A_281 : memref<32x512xf32, #tpu.memory_space<hbm>>) target_semaphore(%arg23 : memref<!tpu.dma_semaphore, #tpu.memory_space<semaphore_mem>>)
      %dma_wait3A_282 = arith.constant 0 : i32
      %dma_wait3A_283 = tpu.memref_slice %arg4[%mul3A_2, %dma_wait3A_282] : memref<65536x512xf32, #tpu.memory_space<hbm>> -> memref<32x512xf32, #tpu.memory_space<hbm>>
      %dma_wait3A_284 = arith.constant 0 : i32
      %dma_wait3A_285 = tpu.memref_slice %arg4[%mul3A_2, %dma_wait3A_284] : memref<65536x512xf32, #tpu.memory_space<hbm>> -> memref<32x512xf32, #tpu.memory_space<hbm>>
      tpu.wait_dma2 semaphore(%arg20 : memref<!tpu.dma_semaphore, #tpu.memory_space<semaphore_mem>>) src(%arg6 : memref<32x512xf32, #tpu.memory_space<vmem>>) dst(%dma_wait3A_285 : memref<32x512xf32, #tpu.memory_space<hbm>>)
      %add3A_286 = arith.constant 224 : i32
      %add3A_287 = arith.addi %mul3A_221, %add3A_286 : i32
      %add3A_288 = arith.constant 0 : i32
      %add3A_289 = arith.addi %add3A_287, %add3A_288 : i32
      %dma_start3A_290 = arith.constant 0 : i32
      %dma_start3A_291 = arith.constant 0 : i32
      %dma_start3A_292 = tpu.memref_slice %arg6[%dma_start3A_290, %dma_start3A_291] : memref<32x512xf32, #tpu.memory_space<vmem>> -> memref<32x512xf32, #tpu.memory_space<vmem>>
      %dma_start3A_293 = tpu.memref_slice %arg5[%add3A_289] : memref<2048xi32, #tpu.memory_space<vmem>> -> memref<32xi32, #tpu.memory_space<vmem>>
      %dma_start3A_294 = arith.constant 0 : i32
      %dma_start3A_295 = arith.constant 0 : i32
      %dma_start3A_296 = tpu.memref_slice %arg2[%dma_start3A_294, %dma_start3A_295] : memref<8192x512xf32, #tpu.memory_space<hbm>> -> memref<8192x512xf32, #tpu.memory_space<hbm>>
      tpu.enqueue_indirect_dma source(%dma_start3A_296 : memref<8192x512xf32, #tpu.memory_space<hbm>>) target(%dma_start3A_292 : memref<32x512xf32, #tpu.memory_space<vmem>>) offsets(%dma_start3A_293 : memref<32xi32, #tpu.memory_space<vmem>>) semaphore(%arg13 : memref<!tpu.dma_semaphore, #tpu.memory_space<semaphore_mem>>)
      %dma_wait3A_297 = arith.constant 0 : i32
      %dma_wait3A_298 = arith.constant 0 : i32
      %dma_wait3A_299 = tpu.memref_slice %arg10[%dma_wait3A_297, %dma_wait3A_298] : memref<32x512xf32, #tpu.memory_space<vmem>> -> memref<32x512xf32, #tpu.memory_space<vmem>>
      %dma_wait3A_300 = arith.constant 0 : i32
      %dma_wait3A_301 = tpu.memref_slice %arg5[%dma_wait3A_300] : memref<2048xi32, #tpu.memory_space<vmem>> -> memref<32xi32, #tpu.memory_space<vmem>>
      %dma_wait3A_302 = arith.constant 0 : i32
      %dma_wait3A_303 = arith.constant 0 : i32
      %dma_wait3A_304 = tpu.memref_slice %arg2[%dma_wait3A_302, %dma_wait3A_303] : memref<8192x512xf32, #tpu.memory_space<hbm>> -> memref<8192x512xf32, #tpu.memory_space<hbm>>
      tpu.wait_indirect_dma semaphore(%arg17 : memref<!tpu.dma_semaphore, #tpu.memory_space<semaphore_mem>>) src(%dma_wait3A_304 : memref<8192x512xf32, #tpu.memory_space<hbm>>) dst(%dma_wait3A_299 : memref<32x512xf32, #tpu.memory_space<vmem>>)
      %add3A_305 = arith.constant 128 : i32
      %add3A_306 = arith.addi %mul3A_221, %add3A_305 : i32
      %add3A_307 = arith.addi %mul3A_2, %add3A_306 : i32
      %dma_start3A_308 = arith.constant 0 : i32
      %dma_start3A_309 = tpu.memref_slice %arg4[%add3A_307, %dma_start3A_308] : memref<65536x512xf32, #tpu.memory_space<hbm>> -> memref<32x512xf32, #tpu.memory_space<hbm>>
      %dma_start3A_310 = arith.constant 0 : i32
      %dma_start3A_311 = tpu.memref_slice %arg4[%add3A_307, %dma_start3A_310] : memref<65536x512xf32, #tpu.memory_space<hbm>> -> memref<32x512xf32, #tpu.memory_space<hbm>>
      tpu.enqueue_dma source(%arg10 : memref<32x512xf32, #tpu.memory_space<vmem>>) target(%dma_start3A_311 : memref<32x512xf32, #tpu.memory_space<hbm>>) target_semaphore(%arg24 : memref<!tpu.dma_semaphore, #tpu.memory_space<semaphore_mem>>)
      %dma_wait3A_312 = arith.constant 0 : i32
      %dma_wait3A_313 = tpu.memref_slice %arg4[%mul3A_2, %dma_wait3A_312] : memref<65536x512xf32, #tpu.memory_space<hbm>> -> memref<32x512xf32, #tpu.memory_space<hbm>>
      %dma_wait3A_314 = arith.constant 0 : i32
      %dma_wait3A_315 = tpu.memref_slice %arg4[%mul3A_2, %dma_wait3A_314] : memref<65536x512xf32, #tpu.memory_space<hbm>> -> memref<32x512xf32, #tpu.memory_space<hbm>>
      tpu.wait_dma2 semaphore(%arg21 : memref<!tpu.dma_semaphore, #tpu.memory_space<semaphore_mem>>) src(%arg7 : memref<32x512xf32, #tpu.memory_space<vmem>>) dst(%dma_wait3A_315 : memref<32x512xf32, #tpu.memory_space<hbm>>)
      %add3A_316 = arith.constant 256 : i32
      %add3A_317 = arith.addi %mul3A_221, %add3A_316 : i32
      %add3A_318 = arith.constant 0 : i32
      %add3A_319 = arith.addi %add3A_317, %add3A_318 : i32
      %dma_start3A_320 = arith.constant 0 : i32
      %dma_start3A_321 = arith.constant 0 : i32
      %dma_start3A_322 = tpu.memref_slice %arg7[%dma_start3A_320, %dma_start3A_321] : memref<32x512xf32, #tpu.memory_space<vmem>> -> memref<32x512xf32, #tpu.memory_space<vmem>>
      %dma_start3A_323 = tpu.memref_slice %arg5[%add3A_319] : memref<2048xi32, #tpu.memory_space<vmem>> -> memref<32xi32, #tpu.memory_space<vmem>>
      %dma_start3A_324 = arith.constant 0 : i32
      %dma_start3A_325 = arith.constant 0 : i32
      %dma_start3A_326 = tpu.memref_slice %arg2[%dma_start3A_324, %dma_start3A_325] : memref<8192x512xf32, #tpu.memory_space<hbm>> -> memref<8192x512xf32, #tpu.memory_space<hbm>>
      tpu.enqueue_indirect_dma source(%dma_start3A_326 : memref<8192x512xf32, #tpu.memory_space<hbm>>) target(%dma_start3A_322 : memref<32x512xf32, #tpu.memory_space<vmem>>) offsets(%dma_start3A_323 : memref<32xi32, #tpu.memory_space<vmem>>) semaphore(%arg14 : memref<!tpu.dma_semaphore, #tpu.memory_space<semaphore_mem>>)
      %dma_wait3A_327 = arith.constant 0 : i32
      %dma_wait3A_328 = arith.constant 0 : i32
      %dma_wait3A_329 = tpu.memref_slice %arg11[%dma_wait3A_327, %dma_wait3A_328] : memref<32x512xf32, #tpu.memory_space<vmem>> -> memref<32x512xf32, #tpu.memory_space<vmem>>
      %dma_wait3A_330 = arith.constant 0 : i32
      %dma_wait3A_331 = tpu.memref_slice %arg5[%dma_wait3A_330] : memref<2048xi32, #tpu.memory_space<vmem>> -> memref<32xi32, #tpu.memory_space<vmem>>
      %dma_wait3A_332 = arith.constant 0 : i32
      %dma_wait3A_333 = arith.constant 0 : i32
      %dma_wait3A_334 = tpu.memref_slice %arg2[%dma_wait3A_332, %dma_wait3A_333] : memref<8192x512xf32, #tpu.memory_space<hbm>> -> memref<8192x512xf32, #tpu.memory_space<hbm>>
      tpu.wait_indirect_dma semaphore(%arg18 : memref<!tpu.dma_semaphore, #tpu.memory_space<semaphore_mem>>) src(%dma_wait3A_334 : memref<8192x512xf32, #tpu.memory_space<hbm>>) dst(%dma_wait3A_329 : memref<32x512xf32, #tpu.memory_space<vmem>>)
      %add3A_335 = arith.constant 160 : i32
      %add3A_336 = arith.addi %mul3A_221, %add3A_335 : i32
      %add3A_337 = arith.addi %mul3A_2, %add3A_336 : i32
      %dma_start3A_338 = arith.constant 0 : i32
      %dma_start3A_339 = tpu.memref_slice %arg4[%add3A_337, %dma_start3A_338] : memref<65536x512xf32, #tpu.memory_space<hbm>> -> memref<32x512xf32, #tpu.memory_space<hbm>>
      %dma_start3A_340 = arith.constant 0 : i32
      %dma_start3A_341 = tpu.memref_slice %arg4[%add3A_337, %dma_start3A_340] : memref<65536x512xf32, #tpu.memory_space<hbm>> -> memref<32x512xf32, #tpu.memory_space<hbm>>
      tpu.enqueue_dma source(%arg11 : memref<32x512xf32, #tpu.memory_space<vmem>>) target(%dma_start3A_341 : memref<32x512xf32, #tpu.memory_space<hbm>>) target_semaphore(%arg25 : memref<!tpu.dma_semaphore, #tpu.memory_space<semaphore_mem>>)
      %dma_wait3A_342 = arith.constant 0 : i32
      %dma_wait3A_343 = tpu.memref_slice %arg4[%mul3A_2, %dma_wait3A_342] : memref<65536x512xf32, #tpu.memory_space<hbm>> -> memref<32x512xf32, #tpu.memory_space<hbm>>
      %dma_wait3A_344 = arith.constant 0 : i32
      %dma_wait3A_345 = tpu.memref_slice %arg4[%mul3A_2, %dma_wait3A_344] : memref<65536x512xf32, #tpu.memory_space<hbm>> -> memref<32x512xf32, #tpu.memory_space<hbm>>
      tpu.wait_dma2 semaphore(%arg22 : memref<!tpu.dma_semaphore, #tpu.memory_space<semaphore_mem>>) src(%arg8 : memref<32x512xf32, #tpu.memory_space<vmem>>) dst(%dma_wait3A_345 : memref<32x512xf32, #tpu.memory_space<hbm>>)
      %add3A_346 = arith.constant 288 : i32
      %add3A_347 = arith.addi %mul3A_221, %add3A_346 : i32
      %add3A_348 = arith.constant 0 : i32
      %add3A_349 = arith.addi %add3A_347, %add3A_348 : i32
      %dma_start3A_350 = arith.constant 0 : i32
      %dma_start3A_351 = arith.constant 0 : i32
      %dma_start3A_352 = tpu.memref_slice %arg8[%dma_start3A_350, %dma_start3A_351] : memref<32x512xf32, #tpu.memory_space<vmem>> -> memref<32x512xf32, #tpu.memory_space<vmem>>
      %dma_start3A_353 = tpu.memref_slice %arg5[%add3A_349] : memref<2048xi32, #tpu.memory_space<vmem>> -> memref<32xi32, #tpu.memory_space<vmem>>
      %dma_start3A_354 = arith.constant 0 : i32
      %dma_start3A_355 = arith.constant 0 : i32
      %dma_start3A_356 = tpu.memref_slice %arg2[%dma_start3A_354, %dma_start3A_355] : memref<8192x512xf32, #tpu.memory_space<hbm>> -> memref<8192x512xf32, #tpu.memory_space<hbm>>
      tpu.enqueue_indirect_dma source(%dma_start3A_356 : memref<8192x512xf32, #tpu.memory_space<hbm>>) target(%dma_start3A_352 : memref<32x512xf32, #tpu.memory_space<vmem>>) offsets(%dma_start3A_353 : memref<32xi32, #tpu.memory_space<vmem>>) semaphore(%arg15 : memref<!tpu.dma_semaphore, #tpu.memory_space<semaphore_mem>>)
      %dma_wait3A_357 = arith.constant 0 : i32
      %dma_wait3A_358 = arith.constant 0 : i32
      %dma_wait3A_359 = tpu.memref_slice %arg12[%dma_wait3A_357, %dma_wait3A_358] : memref<32x512xf32, #tpu.memory_space<vmem>> -> memref<32x512xf32, #tpu.memory_space<vmem>>
      %dma_wait3A_360 = arith.constant 0 : i32
      %dma_wait3A_361 = tpu.memref_slice %arg5[%dma_wait3A_360] : memref<2048xi32, #tpu.memory_space<vmem>> -> memref<32xi32, #tpu.memory_space<vmem>>
      %dma_wait3A_362 = arith.constant 0 : i32
      %dma_wait3A_363 = arith.constant 0 : i32
      %dma_wait3A_364 = tpu.memref_slice %arg2[%dma_wait3A_362, %dma_wait3A_363] : memref<8192x512xf32, #tpu.memory_space<hbm>> -> memref<8192x512xf32, #tpu.memory_space<hbm>>
      tpu.wait_indirect_dma semaphore(%arg19 : memref<!tpu.dma_semaphore, #tpu.memory_space<semaphore_mem>>) src(%dma_wait3A_364 : memref<8192x512xf32, #tpu.memory_space<hbm>>) dst(%dma_wait3A_359 : memref<32x512xf32, #tpu.memory_space<vmem>>)
      %add3A_365 = arith.constant 192 : i32
      %add3A_366 = arith.addi %mul3A_221, %add3A_365 : i32
      %add3A_367 = arith.addi %mul3A_2, %add3A_366 : i32
      %dma_start3A_368 = arith.constant 0 : i32
      %dma_start3A_369 = tpu.memref_slice %arg4[%add3A_367, %dma_start3A_368] : memref<65536x512xf32, #tpu.memory_space<hbm>> -> memref<32x512xf32, #tpu.memory_space<hbm>>
      %dma_start3A_370 = arith.constant 0 : i32
      %dma_start3A_371 = tpu.memref_slice %arg4[%add3A_367, %dma_start3A_370] : memref<65536x512xf32, #tpu.memory_space<hbm>> -> memref<32x512xf32, #tpu.memory_space<hbm>>
      tpu.enqueue_dma source(%arg12 : memref<32x512xf32, #tpu.memory_space<vmem>>) target(%dma_start3A_371 : memref<32x512xf32, #tpu.memory_space<hbm>>) target_semaphore(%arg26 : memref<!tpu.dma_semaphore, #tpu.memory_space<semaphore_mem>>)
      %dma_wait3A_372 = arith.constant 0 : i32
      %dma_wait3A_373 = tpu.memref_slice %arg4[%mul3A_2, %dma_wait3A_372] : memref<65536x512xf32, #tpu.memory_space<hbm>> -> memref<32x512xf32, #tpu.memory_space<hbm>>
      %dma_wait3A_374 = arith.constant 0 : i32
      %dma_wait3A_375 = tpu.memref_slice %arg4[%mul3A_2, %dma_wait3A_374] : memref<65536x512xf32, #tpu.memory_space<hbm>> -> memref<32x512xf32, #tpu.memory_space<hbm>>
      tpu.wait_dma2 semaphore(%arg23 : memref<!tpu.dma_semaphore, #tpu.memory_space<semaphore_mem>>) src(%arg9 : memref<32x512xf32, #tpu.memory_space<vmem>>) dst(%dma_wait3A_375 : memref<32x512xf32, #tpu.memory_space<hbm>>)
      %add3A_376 = arith.constant 320 : i32
      %add3A_377 = arith.addi %mul3A_221, %add3A_376 : i32
      %add3A_378 = arith.constant 0 : i32
      %add3A_379 = arith.addi %add3A_377, %add3A_378 : i32
      %dma_start3A_380 = arith.constant 0 : i32
      %dma_start3A_381 = arith.constant 0 : i32
      %dma_start3A_382 = tpu.memref_slice %arg9[%dma_start3A_380, %dma_start3A_381] : memref<32x512xf32, #tpu.memory_space<vmem>> -> memref<32x512xf32, #tpu.memory_space<vmem>>
      %dma_start3A_383 = tpu.memref_slice %arg5[%add3A_379] : memref<2048xi32, #tpu.memory_space<vmem>> -> memref<32xi32, #tpu.memory_space<vmem>>
      %dma_start3A_384 = arith.constant 0 : i32
      %dma_start3A_385 = arith.constant 0 : i32
      %dma_start3A_386 = tpu.memref_slice %arg2[%dma_start3A_384, %dma_start3A_385] : memref<8192x512xf32, #tpu.memory_space<hbm>> -> memref<8192x512xf32, #tpu.memory_space<hbm>>
      tpu.enqueue_indirect_dma source(%dma_start3A_386 : memref<8192x512xf32, #tpu.memory_space<hbm>>) target(%dma_start3A_382 : memref<32x512xf32, #tpu.memory_space<vmem>>) offsets(%dma_start3A_383 : memref<32xi32, #tpu.memory_space<vmem>>) semaphore(%arg16 : memref<!tpu.dma_semaphore, #tpu.memory_space<semaphore_mem>>)
      %dma_wait3A_387 = arith.constant 0 : i32
      %dma_wait3A_388 = tpu.memref_slice %arg4[%mul3A_2, %dma_wait3A_387] : memref<65536x512xf32, #tpu.memory_space<hbm>> -> memref<32x512xf32, #tpu.memory_space<hbm>>
      %dma_wait3A_389 = arith.constant 0 : i32
      %dma_wait3A_390 = tpu.memref_slice %arg4[%mul3A_2, %dma_wait3A_389] : memref<65536x512xf32, #tpu.memory_space<hbm>> -> memref<32x512xf32, #tpu.memory_space<hbm>>
      tpu.wait_dma2 semaphore(%arg24 : memref<!tpu.dma_semaphore, #tpu.memory_space<semaphore_mem>>) src(%arg10 : memref<32x512xf32, #tpu.memory_space<vmem>>) dst(%dma_wait3A_390 : memref<32x512xf32, #tpu.memory_space<hbm>>)
      %add3A_391 = arith.constant 352 : i32
      %add3A_392 = arith.addi %mul3A_221, %add3A_391 : i32
      %add3A_393 = arith.constant 0 : i32
      %add3A_394 = arith.addi %add3A_392, %add3A_393 : i32
      %dma_start3A_395 = arith.constant 0 : i32
      %dma_start3A_396 = arith.constant 0 : i32
      %dma_start3A_397 = tpu.memref_slice %arg10[%dma_start3A_395, %dma_start3A_396] : memref<32x512xf32, #tpu.memory_space<vmem>> -> memref<32x512xf32, #tpu.memory_space<vmem>>
      %dma_start3A_398 = tpu.memref_slice %arg5[%add3A_394] : memref<2048xi32, #tpu.memory_space<vmem>> -> memref<32xi32, #tpu.memory_space<vmem>>
      %dma_start3A_399 = arith.constant 0 : i32
      %dma_start3A_400 = arith.constant 0 : i32
      %dma_start3A_401 = tpu.memref_slice %arg2[%dma_start3A_399, %dma_start3A_400] : memref<8192x512xf32, #tpu.memory_space<hbm>> -> memref<8192x512xf32, #tpu.memory_space<hbm>>
      tpu.enqueue_indirect_dma source(%dma_start3A_401 : memref<8192x512xf32, #tpu.memory_space<hbm>>) target(%dma_start3A_397 : memref<32x512xf32, #tpu.memory_space<vmem>>) offsets(%dma_start3A_398 : memref<32xi32, #tpu.memory_space<vmem>>) semaphore(%arg17 : memref<!tpu.dma_semaphore, #tpu.memory_space<semaphore_mem>>)
      %dma_wait3A_402 = arith.constant 0 : i32
      %dma_wait3A_403 = tpu.memref_slice %arg4[%mul3A_2, %dma_wait3A_402] : memref<65536x512xf32, #tpu.memory_space<hbm>> -> memref<32x512xf32, #tpu.memory_space<hbm>>
      %dma_wait3A_404 = arith.constant 0 : i32
      %dma_wait3A_405 = tpu.memref_slice %arg4[%mul3A_2, %dma_wait3A_404] : memref<65536x512xf32, #tpu.memory_space<hbm>> -> memref<32x512xf32, #tpu.memory_space<hbm>>
      tpu.wait_dma2 semaphore(%arg25 : memref<!tpu.dma_semaphore, #tpu.memory_space<semaphore_mem>>) src(%arg11 : memref<32x512xf32, #tpu.memory_space<vmem>>) dst(%dma_wait3A_405 : memref<32x512xf32, #tpu.memory_space<hbm>>)
      %add3A_406 = arith.constant 384 : i32
      %add3A_407 = arith.addi %mul3A_221, %add3A_406 : i32
      %add3A_408 = arith.constant 0 : i32
      %add3A_409 = arith.addi %add3A_407, %add3A_408 : i32
      %dma_start3A_410 = arith.constant 0 : i32
      %dma_start3A_411 = arith.constant 0 : i32
      %dma_start3A_412 = tpu.memref_slice %arg11[%dma_start3A_410, %dma_start3A_411] : memref<32x512xf32, #tpu.memory_space<vmem>> -> memref<32x512xf32, #tpu.memory_space<vmem>>
      %dma_start3A_413 = tpu.memref_slice %arg5[%add3A_409] : memref<2048xi32, #tpu.memory_space<vmem>> -> memref<32xi32, #tpu.memory_space<vmem>>
      %dma_start3A_414 = arith.constant 0 : i32
      %dma_start3A_415 = arith.constant 0 : i32
      %dma_start3A_416 = tpu.memref_slice %arg2[%dma_start3A_414, %dma_start3A_415] : memref<8192x512xf32, #tpu.memory_space<hbm>> -> memref<8192x512xf32, #tpu.memory_space<hbm>>
      tpu.enqueue_indirect_dma source(%dma_start3A_416 : memref<8192x512xf32, #tpu.memory_space<hbm>>) target(%dma_start3A_412 : memref<32x512xf32, #tpu.memory_space<vmem>>) offsets(%dma_start3A_413 : memref<32xi32, #tpu.memory_space<vmem>>) semaphore(%arg18 : memref<!tpu.dma_semaphore, #tpu.memory_space<semaphore_mem>>)
      %dma_wait3A_417 = arith.constant 0 : i32
      %dma_wait3A_418 = tpu.memref_slice %arg4[%mul3A_2, %dma_wait3A_417] : memref<65536x512xf32, #tpu.memory_space<hbm>> -> memref<32x512xf32, #tpu.memory_space<hbm>>
      %dma_wait3A_419 = arith.constant 0 : i32
      %dma_wait3A_420 = tpu.memref_slice %arg4[%mul3A_2, %dma_wait3A_419] : memref<65536x512xf32, #tpu.memory_space<hbm>> -> memref<32x512xf32, #tpu.memory_space<hbm>>
      tpu.wait_dma2 semaphore(%arg26 : memref<!tpu.dma_semaphore, #tpu.memory_space<semaphore_mem>>) src(%arg12 : memref<32x512xf32, #tpu.memory_space<vmem>>) dst(%dma_wait3A_420 : memref<32x512xf32, #tpu.memory_space<hbm>>)
      %add3A_421 = arith.constant 416 : i32
      %add3A_422 = arith.addi %mul3A_221, %add3A_421 : i32
      %add3A_423 = arith.constant 0 : i32
      %add3A_424 = arith.addi %add3A_422, %add3A_423 : i32
      %dma_start3A_425 = arith.constant 0 : i32
      %dma_start3A_426 = arith.constant 0 : i32
      %dma_start3A_427 = tpu.memref_slice %arg12[%dma_start3A_425, %dma_start3A_426] : memref<32x512xf32, #tpu.memory_space<vmem>> -> memref<32x512xf32, #tpu.memory_space<vmem>>
      %dma_start3A_428 = tpu.memref_slice %arg5[%add3A_424] : memref<2048xi32, #tpu.memory_space<vmem>> -> memref<32xi32, #tpu.memory_space<vmem>>
      %dma_start3A_429 = arith.constant 0 : i32
      %dma_start3A_430 = arith.constant 0 : i32
      %dma_start3A_431 = tpu.memref_slice %arg2[%dma_start3A_429, %dma_start3A_430] : memref<8192x512xf32, #tpu.memory_space<hbm>> -> memref<8192x512xf32, #tpu.memory_space<hbm>>
      tpu.enqueue_indirect_dma source(%dma_start3A_431 : memref<8192x512xf32, #tpu.memory_space<hbm>>) target(%dma_start3A_427 : memref<32x512xf32, #tpu.memory_space<vmem>>) offsets(%dma_start3A_428 : memref<32xi32, #tpu.memory_space<vmem>>) semaphore(%arg19 : memref<!tpu.dma_semaphore, #tpu.memory_space<semaphore_mem>>)
    }
    %scan3A_61 = arith.constant 8 : i32
    %dma_wait3A = arith.constant 0 : i32
    %dma_wait3A_62 = arith.constant 0 : i32
    %dma_wait3A_63 = tpu.memref_slice %arg6[%dma_wait3A, %dma_wait3A_62] : memref<32x512xf32, #tpu.memory_space<vmem>> -> memref<32x512xf32, #tpu.memory_space<vmem>>
    %dma_wait3A_64 = arith.constant 0 : i32
    %dma_wait3A_65 = tpu.memref_slice %arg5[%dma_wait3A_64] : memref<2048xi32, #tpu.memory_space<vmem>> -> memref<32xi32, #tpu.memory_space<vmem>>
    %dma_wait3A_66 = arith.constant 0 : i32
    %dma_wait3A_67 = arith.constant 0 : i32
    %dma_wait3A_68 = tpu.memref_slice %arg2[%dma_wait3A_66, %dma_wait3A_67] : memref<8192x512xf32, #tpu.memory_space<hbm>> -> memref<8192x512xf32, #tpu.memory_space<hbm>>
    tpu.wait_indirect_dma semaphore(%arg13 : memref<!tpu.dma_semaphore, #tpu.memory_space<semaphore_mem>>) src(%dma_wait3A_68 : memref<8192x512xf32, #tpu.memory_space<hbm>>) dst(%dma_wait3A_63 : memref<32x512xf32, #tpu.memory_space<vmem>>)
    %add3A_69 = arith.constant 1792 : i32
    %add3A_70 = arith.addi %mul3A_2, %add3A_69 : i32
    %dma_start3A_71 = arith.constant 0 : i32
    %dma_start3A_72 = tpu.memref_slice %arg4[%add3A_70, %dma_start3A_71] : memref<65536x512xf32, #tpu.memory_space<hbm>> -> memref<32x512xf32, #tpu.memory_space<hbm>>
    %dma_start3A_73 = arith.constant 0 : i32
    %dma_start3A_74 = tpu.memref_slice %arg4[%add3A_70, %dma_start3A_73] : memref<65536x512xf32, #tpu.memory_space<hbm>> -> memref<32x512xf32, #tpu.memory_space<hbm>>
    tpu.enqueue_dma source(%arg6 : memref<32x512xf32, #tpu.memory_space<vmem>>) target(%dma_start3A_74 : memref<32x512xf32, #tpu.memory_space<hbm>>) target_semaphore(%arg20 : memref<!tpu.dma_semaphore, #tpu.memory_space<semaphore_mem>>)
    %dma_wait3A_75 = arith.constant 0 : i32
    %dma_wait3A_76 = arith.constant 0 : i32
    %dma_wait3A_77 = tpu.memref_slice %arg7[%dma_wait3A_75, %dma_wait3A_76] : memref<32x512xf32, #tpu.memory_space<vmem>> -> memref<32x512xf32, #tpu.memory_space<vmem>>
    %dma_wait3A_78 = arith.constant 0 : i32
    %dma_wait3A_79 = tpu.memref_slice %arg5[%dma_wait3A_78] : memref<2048xi32, #tpu.memory_space<vmem>> -> memref<32xi32, #tpu.memory_space<vmem>>
    %dma_wait3A_80 = arith.constant 0 : i32
    %dma_wait3A_81 = arith.constant 0 : i32
    %dma_wait3A_82 = tpu.memref_slice %arg2[%dma_wait3A_80, %dma_wait3A_81] : memref<8192x512xf32, #tpu.memory_space<hbm>> -> memref<8192x512xf32, #tpu.memory_space<hbm>>
    tpu.wait_indirect_dma semaphore(%arg14 : memref<!tpu.dma_semaphore, #tpu.memory_space<semaphore_mem>>) src(%dma_wait3A_82 : memref<8192x512xf32, #tpu.memory_space<hbm>>) dst(%dma_wait3A_77 : memref<32x512xf32, #tpu.memory_space<vmem>>)
    %add3A_83 = arith.constant 1824 : i32
    %add3A_84 = arith.addi %mul3A_2, %add3A_83 : i32
    %dma_start3A_85 = arith.constant 0 : i32
    %dma_start3A_86 = tpu.memref_slice %arg4[%add3A_84, %dma_start3A_85] : memref<65536x512xf32, #tpu.memory_space<hbm>> -> memref<32x512xf32, #tpu.memory_space<hbm>>
    %dma_start3A_87 = arith.constant 0 : i32
    %dma_start3A_88 = tpu.memref_slice %arg4[%add3A_84, %dma_start3A_87] : memref<65536x512xf32, #tpu.memory_space<hbm>> -> memref<32x512xf32, #tpu.memory_space<hbm>>
    tpu.enqueue_dma source(%arg7 : memref<32x512xf32, #tpu.memory_space<vmem>>) target(%dma_start3A_88 : memref<32x512xf32, #tpu.memory_space<hbm>>) target_semaphore(%arg21 : memref<!tpu.dma_semaphore, #tpu.memory_space<semaphore_mem>>)
    %dma_wait3A_89 = arith.constant 0 : i32
    %dma_wait3A_90 = arith.constant 0 : i32
    %dma_wait3A_91 = tpu.memref_slice %arg8[%dma_wait3A_89, %dma_wait3A_90] : memref<32x512xf32, #tpu.memory_space<vmem>> -> memref<32x512xf32, #tpu.memory_space<vmem>>
    %dma_wait3A_92 = arith.constant 0 : i32
    %dma_wait3A_93 = tpu.memref_slice %arg5[%dma_wait3A_92] : memref<2048xi32, #tpu.memory_space<vmem>> -> memref<32xi32, #tpu.memory_space<vmem>>
    %dma_wait3A_94 = arith.constant 0 : i32
    %dma_wait3A_95 = arith.constant 0 : i32
    %dma_wait3A_96 = tpu.memref_slice %arg2[%dma_wait3A_94, %dma_wait3A_95] : memref<8192x512xf32, #tpu.memory_space<hbm>> -> memref<8192x512xf32, #tpu.memory_space<hbm>>
    tpu.wait_indirect_dma semaphore(%arg15 : memref<!tpu.dma_semaphore, #tpu.memory_space<semaphore_mem>>) src(%dma_wait3A_96 : memref<8192x512xf32, #tpu.memory_space<hbm>>) dst(%dma_wait3A_91 : memref<32x512xf32, #tpu.memory_space<vmem>>)
    %add3A_97 = arith.constant 1856 : i32
    %add3A_98 = arith.addi %mul3A_2, %add3A_97 : i32
    %dma_start3A_99 = arith.constant 0 : i32
    %dma_start3A_100 = tpu.memref_slice %arg4[%add3A_98, %dma_start3A_99] : memref<65536x512xf32, #tpu.memory_space<hbm>> -> memref<32x512xf32, #tpu.memory_space<hbm>>
    %dma_start3A_101 = arith.constant 0 : i32
    %dma_start3A_102 = tpu.memref_slice %arg4[%add3A_98, %dma_start3A_101] : memref<65536x512xf32, #tpu.memory_space<hbm>> -> memref<32x512xf32, #tpu.memory_space<hbm>>
    tpu.enqueue_dma source(%arg8 : memref<32x512xf32, #tpu.memory_space<vmem>>) target(%dma_start3A_102 : memref<32x512xf32, #tpu.memory_space<hbm>>) target_semaphore(%arg22 : memref<!tpu.dma_semaphore, #tpu.memory_space<semaphore_mem>>)
    %dma_wait3A_103 = arith.constant 0 : i32
    %dma_wait3A_104 = arith.constant 0 : i32
    %dma_wait3A_105 = tpu.memref_slice %arg9[%dma_wait3A_103, %dma_wait3A_104] : memref<32x512xf32, #tpu.memory_space<vmem>> -> memref<32x512xf32, #tpu.memory_space<vmem>>
    %dma_wait3A_106 = arith.constant 0 : i32
    %dma_wait3A_107 = tpu.memref_slice %arg5[%dma_wait3A_106] : memref<2048xi32, #tpu.memory_space<vmem>> -> memref<32xi32, #tpu.memory_space<vmem>>
    %dma_wait3A_108 = arith.constant 0 : i32
    %dma_wait3A_109 = arith.constant 0 : i32
    %dma_wait3A_110 = tpu.memref_slice %arg2[%dma_wait3A_108, %dma_wait3A_109] : memref<8192x512xf32, #tpu.memory_space<hbm>> -> memref<8192x512xf32, #tpu.memory_space<hbm>>
    tpu.wait_indirect_dma semaphore(%arg16 : memref<!tpu.dma_semaphore, #tpu.memory_space<semaphore_mem>>) src(%dma_wait3A_110 : memref<8192x512xf32, #tpu.memory_space<hbm>>) dst(%dma_wait3A_105 : memref<32x512xf32, #tpu.memory_space<vmem>>)
    %add3A_111 = arith.constant 1888 : i32
    %add3A_112 = arith.addi %mul3A_2, %add3A_111 : i32
    %dma_start3A_113 = arith.constant 0 : i32
    %dma_start3A_114 = tpu.memref_slice %arg4[%add3A_112, %dma_start3A_113] : memref<65536x512xf32, #tpu.memory_space<hbm>> -> memref<32x512xf32, #tpu.memory_space<hbm>>
    %dma_start3A_115 = arith.constant 0 : i32
    %dma_start3A_116 = tpu.memref_slice %arg4[%add3A_112, %dma_start3A_115] : memref<65536x512xf32, #tpu.memory_space<hbm>> -> memref<32x512xf32, #tpu.memory_space<hbm>>
    tpu.enqueue_dma source(%arg9 : memref<32x512xf32, #tpu.memory_space<vmem>>) target(%dma_start3A_116 : memref<32x512xf32, #tpu.memory_space<hbm>>) target_semaphore(%arg23 : memref<!tpu.dma_semaphore, #tpu.memory_space<semaphore_mem>>)
    %dma_wait3A_117 = arith.constant 0 : i32
    %dma_wait3A_118 = arith.constant 0 : i32
    %dma_wait3A_119 = tpu.memref_slice %arg10[%dma_wait3A_117, %dma_wait3A_118] : memref<32x512xf32, #tpu.memory_space<vmem>> -> memref<32x512xf32, #tpu.memory_space<vmem>>
    %dma_wait3A_120 = arith.constant 0 : i32
    %dma_wait3A_121 = tpu.memref_slice %arg5[%dma_wait3A_120] : memref<2048xi32, #tpu.memory_space<vmem>> -> memref<32xi32, #tpu.memory_space<vmem>>
    %dma_wait3A_122 = arith.constant 0 : i32
    %dma_wait3A_123 = arith.constant 0 : i32
    %dma_wait3A_124 = tpu.memref_slice %arg2[%dma_wait3A_122, %dma_wait3A_123] : memref<8192x512xf32, #tpu.memory_space<hbm>> -> memref<8192x512xf32, #tpu.memory_space<hbm>>
    tpu.wait_indirect_dma semaphore(%arg17 : memref<!tpu.dma_semaphore, #tpu.memory_space<semaphore_mem>>) src(%dma_wait3A_124 : memref<8192x512xf32, #tpu.memory_space<hbm>>) dst(%dma_wait3A_119 : memref<32x512xf32, #tpu.memory_space<vmem>>)
    %add3A_125 = arith.constant 1920 : i32
    %add3A_126 = arith.addi %mul3A_2, %add3A_125 : i32
    %dma_start3A_127 = arith.constant 0 : i32
    %dma_start3A_128 = tpu.memref_slice %arg4[%add3A_126, %dma_start3A_127] : memref<65536x512xf32, #tpu.memory_space<hbm>> -> memref<32x512xf32, #tpu.memory_space<hbm>>
    %dma_start3A_129 = arith.constant 0 : i32
    %dma_start3A_130 = tpu.memref_slice %arg4[%add3A_126, %dma_start3A_129] : memref<65536x512xf32, #tpu.memory_space<hbm>> -> memref<32x512xf32, #tpu.memory_space<hbm>>
    tpu.enqueue_dma source(%arg10 : memref<32x512xf32, #tpu.memory_space<vmem>>) target(%dma_start3A_130 : memref<32x512xf32, #tpu.memory_space<hbm>>) target_semaphore(%arg24 : memref<!tpu.dma_semaphore, #tpu.memory_space<semaphore_mem>>)
    %dma_wait3A_131 = arith.constant 0 : i32
    %dma_wait3A_132 = arith.constant 0 : i32
    %dma_wait3A_133 = tpu.memref_slice %arg11[%dma_wait3A_131, %dma_wait3A_132] : memref<32x512xf32, #tpu.memory_space<vmem>> -> memref<32x512xf32, #tpu.memory_space<vmem>>
    %dma_wait3A_134 = arith.constant 0 : i32
    %dma_wait3A_135 = tpu.memref_slice %arg5[%dma_wait3A_134] : memref<2048xi32, #tpu.memory_space<vmem>> -> memref<32xi32, #tpu.memory_space<vmem>>
    %dma_wait3A_136 = arith.constant 0 : i32
    %dma_wait3A_137 = arith.constant 0 : i32
    %dma_wait3A_138 = tpu.memref_slice %arg2[%dma_wait3A_136, %dma_wait3A_137] : memref<8192x512xf32, #tpu.memory_space<hbm>> -> memref<8192x512xf32, #tpu.memory_space<hbm>>
    tpu.wait_indirect_dma semaphore(%arg18 : memref<!tpu.dma_semaphore, #tpu.memory_space<semaphore_mem>>) src(%dma_wait3A_138 : memref<8192x512xf32, #tpu.memory_space<hbm>>) dst(%dma_wait3A_133 : memref<32x512xf32, #tpu.memory_space<vmem>>)
    %add3A_139 = arith.constant 1952 : i32
    %add3A_140 = arith.addi %mul3A_2, %add3A_139 : i32
    %dma_start3A_141 = arith.constant 0 : i32
    %dma_start3A_142 = tpu.memref_slice %arg4[%add3A_140, %dma_start3A_141] : memref<65536x512xf32, #tpu.memory_space<hbm>> -> memref<32x512xf32, #tpu.memory_space<hbm>>
    %dma_start3A_143 = arith.constant 0 : i32
    %dma_start3A_144 = tpu.memref_slice %arg4[%add3A_140, %dma_start3A_143] : memref<65536x512xf32, #tpu.memory_space<hbm>> -> memref<32x512xf32, #tpu.memory_space<hbm>>
    tpu.enqueue_dma source(%arg11 : memref<32x512xf32, #tpu.memory_space<vmem>>) target(%dma_start3A_144 : memref<32x512xf32, #tpu.memory_space<hbm>>) target_semaphore(%arg25 : memref<!tpu.dma_semaphore, #tpu.memory_space<semaphore_mem>>)
    %dma_wait3A_145 = arith.constant 0 : i32
    %dma_wait3A_146 = arith.constant 0 : i32
    %dma_wait3A_147 = tpu.memref_slice %arg12[%dma_wait3A_145, %dma_wait3A_146] : memref<32x512xf32, #tpu.memory_space<vmem>> -> memref<32x512xf32, #tpu.memory_space<vmem>>
    %dma_wait3A_148 = arith.constant 0 : i32
    %dma_wait3A_149 = tpu.memref_slice %arg5[%dma_wait3A_148] : memref<2048xi32, #tpu.memory_space<vmem>> -> memref<32xi32, #tpu.memory_space<vmem>>
    %dma_wait3A_150 = arith.constant 0 : i32
    %dma_wait3A_151 = arith.constant 0 : i32
    %dma_wait3A_152 = tpu.memref_slice %arg2[%dma_wait3A_150, %dma_wait3A_151] : memref<8192x512xf32, #tpu.memory_space<hbm>> -> memref<8192x512xf32, #tpu.memory_space<hbm>>
    tpu.wait_indirect_dma semaphore(%arg19 : memref<!tpu.dma_semaphore, #tpu.memory_space<semaphore_mem>>) src(%dma_wait3A_152 : memref<8192x512xf32, #tpu.memory_space<hbm>>) dst(%dma_wait3A_147 : memref<32x512xf32, #tpu.memory_space<vmem>>)
    %add3A_153 = arith.constant 1984 : i32
    %add3A_154 = arith.addi %mul3A_2, %add3A_153 : i32
    %dma_start3A_155 = arith.constant 0 : i32
    %dma_start3A_156 = tpu.memref_slice %arg4[%add3A_154, %dma_start3A_155] : memref<65536x512xf32, #tpu.memory_space<hbm>> -> memref<32x512xf32, #tpu.memory_space<hbm>>
    %dma_start3A_157 = arith.constant 0 : i32
    %dma_start3A_158 = tpu.memref_slice %arg4[%add3A_154, %dma_start3A_157] : memref<65536x512xf32, #tpu.memory_space<hbm>> -> memref<32x512xf32, #tpu.memory_space<hbm>>
    tpu.enqueue_dma source(%arg12 : memref<32x512xf32, #tpu.memory_space<vmem>>) target(%dma_start3A_158 : memref<32x512xf32, #tpu.memory_space<hbm>>) target_semaphore(%arg26 : memref<!tpu.dma_semaphore, #tpu.memory_space<semaphore_mem>>)
    %dma_wait3A_159 = arith.constant 0 : i32
    %dma_wait3A_160 = tpu.memref_slice %arg4[%mul3A_2, %dma_wait3A_159] : memref<65536x512xf32, #tpu.memory_space<hbm>> -> memref<32x512xf32, #tpu.memory_space<hbm>>
    %dma_wait3A_161 = arith.constant 0 : i32
    %dma_wait3A_162 = tpu.memref_slice %arg4[%mul3A_2, %dma_wait3A_161] : memref<65536x512xf32, #tpu.memory_space<hbm>> -> memref<32x512xf32, #tpu.memory_space<hbm>>
    tpu.wait_dma2 semaphore(%arg20 : memref<!tpu.dma_semaphore, #tpu.memory_space<semaphore_mem>>) src(%arg6 : memref<32x512xf32, #tpu.memory_space<vmem>>) dst(%dma_wait3A_162 : memref<32x512xf32, #tpu.memory_space<hbm>>)
    %dma_start3A_163 = arith.constant 0 : i32
    %dma_start3A_164 = arith.constant 0 : i32
    %dma_start3A_165 = tpu.memref_slice %arg6[%dma_start3A_163, %dma_start3A_164] : memref<32x512xf32, #tpu.memory_space<vmem>> -> memref<32x512xf32, #tpu.memory_space<vmem>>
    %dma_start3A_166 = arith.constant 2016 : i32
    %dma_start3A_167 = tpu.memref_slice %arg5[%dma_start3A_166] : memref<2048xi32, #tpu.memory_space<vmem>> -> memref<32xi32, #tpu.memory_space<vmem>>
    %dma_start3A_168 = arith.constant 0 : i32
    %dma_start3A_169 = arith.constant 0 : i32
    %dma_start3A_170 = tpu.memref_slice %arg2[%dma_start3A_168, %dma_start3A_169] : memref<8192x512xf32, #tpu.memory_space<hbm>> -> memref<8192x512xf32, #tpu.memory_space<hbm>>
    tpu.enqueue_indirect_dma source(%dma_start3A_170 : memref<8192x512xf32, #tpu.memory_space<hbm>>) target(%dma_start3A_165 : memref<32x512xf32, #tpu.memory_space<vmem>>) offsets(%dma_start3A_167 : memref<32xi32, #tpu.memory_space<vmem>>) semaphore(%arg13 : memref<!tpu.dma_semaphore, #tpu.memory_space<semaphore_mem>>)
    %dma_wait3A_171 = arith.constant 0 : i32
    %dma_wait3A_172 = arith.constant 0 : i32
    %dma_wait3A_173 = tpu.memref_slice %arg6[%dma_wait3A_171, %dma_wait3A_172] : memref<32x512xf32, #tpu.memory_space<vmem>> -> memref<32x512xf32, #tpu.memory_space<vmem>>
    %dma_wait3A_174 = arith.constant 0 : i32
    %dma_wait3A_175 = tpu.memref_slice %arg5[%dma_wait3A_174] : memref<2048xi32, #tpu.memory_space<vmem>> -> memref<32xi32, #tpu.memory_space<vmem>>
    %dma_wait3A_176 = arith.constant 0 : i32
    %dma_wait3A_177 = arith.constant 0 : i32
    %dma_wait3A_178 = tpu.memref_slice %arg2[%dma_wait3A_176, %dma_wait3A_177] : memref<8192x512xf32, #tpu.memory_space<hbm>> -> memref<8192x512xf32, #tpu.memory_space<hbm>>
    tpu.wait_indirect_dma semaphore(%arg13 : memref<!tpu.dma_semaphore, #tpu.memory_space<semaphore_mem>>) src(%dma_wait3A_178 : memref<8192x512xf32, #tpu.memory_space<hbm>>) dst(%dma_wait3A_173 : memref<32x512xf32, #tpu.memory_space<vmem>>)
    %add3A_179 = arith.constant 2016 : i32
    %add3A_180 = arith.addi %mul3A_2, %add3A_179 : i32
    %dma_start3A_181 = arith.constant 0 : i32
    %dma_start3A_182 = tpu.memref_slice %arg4[%add3A_180, %dma_start3A_181] : memref<65536x512xf32, #tpu.memory_space<hbm>> -> memref<32x512xf32, #tpu.memory_space<hbm>>
    %dma_start3A_183 = arith.constant 0 : i32
    %dma_start3A_184 = tpu.memref_slice %arg4[%add3A_180, %dma_start3A_183] : memref<65536x512xf32, #tpu.memory_space<hbm>> -> memref<32x512xf32, #tpu.memory_space<hbm>>
    tpu.enqueue_dma source(%arg6 : memref<32x512xf32, #tpu.memory_space<vmem>>) target(%dma_start3A_184 : memref<32x512xf32, #tpu.memory_space<hbm>>) target_semaphore(%arg20 : memref<!tpu.dma_semaphore, #tpu.memory_space<semaphore_mem>>)
    %dma_wait3A_185 = arith.constant 0 : i32
    %dma_wait3A_186 = tpu.memref_slice %arg4[%mul3A_2, %dma_wait3A_185] : memref<65536x512xf32, #tpu.memory_space<hbm>> -> memref<32x512xf32, #tpu.memory_space<hbm>>
    %dma_wait3A_187 = arith.constant 0 : i32
    %dma_wait3A_188 = tpu.memref_slice %arg4[%mul3A_2, %dma_wait3A_187] : memref<65536x512xf32, #tpu.memory_space<hbm>> -> memref<32x512xf32, #tpu.memory_space<hbm>>
    tpu.wait_dma2 semaphore(%arg20 : memref<!tpu.dma_semaphore, #tpu.memory_space<semaphore_mem>>) src(%arg6 : memref<32x512xf32, #tpu.memory_space<vmem>>) dst(%dma_wait3A_188 : memref<32x512xf32, #tpu.memory_space<hbm>>)
    %dma_wait3A_189 = arith.constant 0 : i32
    %dma_wait3A_190 = tpu.memref_slice %arg4[%mul3A_2, %dma_wait3A_189] : memref<65536x512xf32, #tpu.memory_space<hbm>> -> memref<32x512xf32, #tpu.memory_space<hbm>>
    %dma_wait3A_191 = arith.constant 0 : i32
    %dma_wait3A_192 = tpu.memref_slice %arg4[%mul3A_2, %dma_wait3A_191] : memref<65536x512xf32, #tpu.memory_space<hbm>> -> memref<32x512xf32, #tpu.memory_space<hbm>>
    tpu.wait_dma2 semaphore(%arg21 : memref<!tpu.dma_semaphore, #tpu.memory_space<semaphore_mem>>) src(%arg7 : memref<32x512xf32, #tpu.memory_space<vmem>>) dst(%dma_wait3A_192 : memref<32x512xf32, #tpu.memory_space<hbm>>)
    %dma_wait3A_193 = arith.constant 0 : i32
    %dma_wait3A_194 = tpu.memref_slice %arg4[%mul3A_2, %dma_wait3A_193] : memref<65536x512xf32, #tpu.memory_space<hbm>> -> memref<32x512xf32, #tpu.memory_space<hbm>>
    %dma_wait3A_195 = arith.constant 0 : i32
    %dma_wait3A_196 = tpu.memref_slice %arg4[%mul3A_2, %dma_wait3A_195] : memref<65536x512xf32, #tpu.memory_space<hbm>> -> memref<32x512xf32, #tpu.memory_space<hbm>>
    tpu.wait_dma2 semaphore(%arg22 : memref<!tpu.dma_semaphore, #tpu.memory_space<semaphore_mem>>) src(%arg8 : memref<32x512xf32, #tpu.memory_space<vmem>>) dst(%dma_wait3A_196 : memref<32x512xf32, #tpu.memory_space<hbm>>)
    %dma_wait3A_197 = arith.constant 0 : i32
    %dma_wait3A_198 = tpu.memref_slice %arg4[%mul3A_2, %dma_wait3A_197] : memref<65536x512xf32, #tpu.memory_space<hbm>> -> memref<32x512xf32, #tpu.memory_space<hbm>>
    %dma_wait3A_199 = arith.constant 0 : i32
    %dma_wait3A_200 = tpu.memref_slice %arg4[%mul3A_2, %dma_wait3A_199] : memref<65536x512xf32, #tpu.memory_space<hbm>> -> memref<32x512xf32, #tpu.memory_space<hbm>>
    tpu.wait_dma2 semaphore(%arg23 : memref<!tpu.dma_semaphore, #tpu.memory_space<semaphore_mem>>) src(%arg9 : memref<32x512xf32, #tpu.memory_space<vmem>>) dst(%dma_wait3A_200 : memref<32x512xf32, #tpu.memory_space<hbm>>)
    %dma_wait3A_201 = arith.constant 0 : i32
    %dma_wait3A_202 = tpu.memref_slice %arg4[%mul3A_2, %dma_wait3A_201] : memref<65536x512xf32, #tpu.memory_space<hbm>> -> memref<32x512xf32, #tpu.memory_space<hbm>>
    %dma_wait3A_203 = arith.constant 0 : i32
    %dma_wait3A_204 = tpu.memref_slice %arg4[%mul3A_2, %dma_wait3A_203] : memref<65536x512xf32, #tpu.memory_space<hbm>> -> memref<32x512xf32, #tpu.memory_space<hbm>>
    tpu.wait_dma2 semaphore(%arg24 : memref<!tpu.dma_semaphore, #tpu.memory_space<semaphore_mem>>) src(%arg10 : memref<32x512xf32, #tpu.memory_space<vmem>>) dst(%dma_wait3A_204 : memref<32x512xf32, #tpu.memory_space<hbm>>)
    %dma_wait3A_205 = arith.constant 0 : i32
    %dma_wait3A_206 = tpu.memref_slice %arg4[%mul3A_2, %dma_wait3A_205] : memref<65536x512xf32, #tpu.memory_space<hbm>> -> memref<32x512xf32, #tpu.memory_space<hbm>>
    %dma_wait3A_207 = arith.constant 0 : i32
    %dma_wait3A_208 = tpu.memref_slice %arg4[%mul3A_2, %dma_wait3A_207] : memref<65536x512xf32, #tpu.memory_space<hbm>> -> memref<32x512xf32, #tpu.memory_space<hbm>>
    tpu.wait_dma2 semaphore(%arg25 : memref<!tpu.dma_semaphore, #tpu.memory_space<semaphore_mem>>) src(%arg11 : memref<32x512xf32, #tpu.memory_space<vmem>>) dst(%dma_wait3A_208 : memref<32x512xf32, #tpu.memory_space<hbm>>)
    %dma_wait3A_209 = arith.constant 0 : i32
    %dma_wait3A_210 = tpu.memref_slice %arg4[%mul3A_2, %dma_wait3A_209] : memref<65536x512xf32, #tpu.memory_space<hbm>> -> memref<32x512xf32, #tpu.memory_space<hbm>>
    %dma_wait3A_211 = arith.constant 0 : i32
    %dma_wait3A_212 = tpu.memref_slice %arg4[%mul3A_2, %dma_wait3A_211] : memref<65536x512xf32, #tpu.memory_space<hbm>> -> memref<32x512xf32, #tpu.memory_space<hbm>>
    tpu.wait_dma2 semaphore(%arg26 : memref<!tpu.dma_semaphore, #tpu.memory_space<semaphore_mem>>) src(%arg12 : memref<32x512xf32, #tpu.memory_space<vmem>>) dst(%dma_wait3A_212 : memref<32x512xf32, #tpu.memory_space<hbm>>)
    return
  }
}

</mosaic_0001>

<sc_bundles>
// kernel: _sc_gather.3.cloned.1.call-start
scs
__scs_entry_jumppad:
0x0: {  	(pc) =	sbr.rel $0x88, $3  }
0x1: {  	(tag) =	ssettag $0x0;
	lr =	simm.s32 $0x1  }
0x2: {  	[smem:$0x3F9F] =	sst lr;
	_ =	strace $0xD0000000  }
0x3: {  	_ = 	snop  }
0x4: {  	_ = 	snop  }
0x5: {  	_ = 	snop  }
0x6: {  	_ = 	snop  }
0x7: {  	_ = 	snop  }
__scs_overlays_trampoline_lowered:
0x8: {  	[smem:$0x3FAE] =	sst s0  }
0x9: {  	[smem:$0x3FAF] =	sst s1  }
0xa: {  	[smem:$0x3FB0] =	sst s2  }
0xb: {  	[smem:$0x3FB1] =	sst s3  }
0xc: {  	[smem:$0x3FB2] =	sst s4  }
0xd: {  	[smem:$0x3FB3] =	sst s5  }
0xe: {  	[smem:$0x3FB4] =	sst s6  }
0xf: {  	[smem:$0x3FB5] =	sst s7  }
0x10: {  	[smem:$0x3FB6] =	sst s8  }
0x11: {  	[smem:$0x3FB7] =	sst s9;
	s0 =	simm.s32 @!p0 $0x0  }
0x12: {  	s1 =	sld [smem:$0x3F9D];
	s0 =	simm.s32 @p0 $0x1  }
0x13: {  	[smem:$0x3FB8] =	sst s0;
	s0 =	simm.s32 @!p1 $0x0  }
0x14: {  	s2 =	sld [smem:$0x3F9C];
	s0 =	simm.s32 @p1 $0x1  }
0x15: {  	[smem:$0x3FB9] =	sst s0;
	s0 =	simm.s32 @!p2 $0x0  }
0x16: {  	s3 =	sld [smem:$0x3FDB];
	s0 =	simm.s32 @p2 $0x1  }
0x17: {  	s4 =	simm.s32 $0x1BF5;
	[smem:$0x3FBB] =	sst s0  }
0x18: {  	s0 =	sld [smem:$0x3F9E];
	_ =	swait.ge [sflag:s4], $0x0  }
0x19: {  	s7 =	sld [smem:$0x3F9F]  }
0x1a: {  	s8 =	sadd.s32 $0xFFFFE003, lr  }
0x1b: {  	s9 =	sadd.s32 $0xFFFFFEF7, lr;
	s5 =	simm.s32 $0xFFFFFFFF;
	p2 =	slt.u32 s8, $0xFFFFF086  }
0x1c: {  	p1 =	slt.u32 s9, $0xF7A;
	s5 =	simm.s32 @!p2 $0x0  }
0x1d: {  	s5 =	simm.s32 @p1 $0x1;
	p0 =	seq.s32 s7, s2  }
0x1e: {  	s7 =	smul.u32 @!p0 $0xF7A, s2;
	p2 =	seq.s32 @!p0 s5, $0x0  }
0x1f: {  	s9 =	smul.u32 $0xF7A, s1;
	s8 =	simm.s32 @!p0 $0x1BF5;
	p2 =	por !p2, p0  }
0x20: {  	[sflag:s8] =	ssyncset.s32 @!p0 $0xFFFFF086;
	s6 =	sadd.s32 @!p0 s3, s7;
	s7 =	simm.s32 @!p0 $0x108  }
0x21: {  	s3 =	sadd.s32 s3, s9;
	s6 =	sadd.s32 @!p0 $0x88, s6;
	s7 =	simm.s32 @p2 $0x1082  }
0x22: {  	[simem:s7], [sflag:s8] =	dma.local @!p0 [hbm:s6], $0xF7A  }
0x23: {  	s9 =	sor.u32 $0xD0000000, s2;
	s6 =	simm.s32 $0x108;
	_ =	swait.ge @!p0 [sflag:s8], $0x0  }
0x24: {  	s3 =	sadd.s32 $0x88, s3;
	s6 =	simm.s32 @!p1 $0x1082;
	[sflag:s4] =	ssyncset.s32 $0xFFFFF086  }
0x25: {  	[simem:s6], [sflag:s4] =	dma.local [hbm:s3], $0xF7A  }
0x26: {  	[smem:$0x3F9F] =	sst s1;
	(tag) =	ssettag s2;
	_ =	strace s9  }
0x27: {  	s1 =	sld [smem:$0x3FAF]  }
0x28: {  	s2 =	sld [smem:$0x3FB0]  }
0x29: {  	s4 =	sld [smem:$0x3FB2]  }
0x2a: {  	p0 =	seq.s32 s5, $0x0;
	s5 =	sld [smem:$0x3FB3]  }
0x2b: {  	s6 =	sld [smem:$0x3FB4]  }
0x2c: {  	s7 =	sld [smem:$0x3FB5]  }
0x2d: {  	s3 =	simm.s32 $0x108;
	s8 =	sld [smem:$0x3FB6]  }
0x2e: {  	s3 =	simm.s32 @!p0 $0x1082;
	s9 =	sld [smem:$0x3FB7]  }
0x2f: {  	lr =	sadd.s32 s0, s3;
	s0 =	sld [smem:$0x3FAE]  }
0x30: {  	s3 =	sld [smem:$0x3FB1]  }
0x31: {  	[smem:$0x3FBA] =	sst s10  }
0x32: {  	s10 =	sld [smem:$0x3FB8];
	_ =	sdelay $0x3  }
0x33: {  	p0 =	seq.s32 s10, $0x1;
	s10 =	sld [smem:$0x3FBA];
	_ =	sdelay $0x3  }
0x34: {  	[smem:$0x3FBA] =	sst s10  }
0x35: {  	s10 =	sld [smem:$0x3FB9];
	_ =	sdelay $0x3  }
0x36: {  	p1 =	seq.s32 s10, $0x1;
	s10 =	sld [smem:$0x3FBA];
	_ =	sdelay $0x3  }
0x37: {  	[smem:$0x3FBA] =	sst s10  }
0x38: {  	s10 =	sld [smem:$0x3FBB]  }
0x39: {  	_ = 	snop;
	(pc) =	sbr.ind lr, $3  }
0x3a: {  	_ = 	snop  }
0x3b: {  	_ = 	snop  }
0x3c: {  	p2 =	seq.s32 s10, $0x1;
	s10 =	sld [smem:$0x3FBA]  }
0x3d: {  	_ =	shalt  }
0x3e: {  	_ =	shalt  }
0x3f: {  	_ =	shalt  }
0x40: {  	_ =	shalt  }
0x41: {  	_ =	shalt  }
0x42: {  	_ =	shalt  }
0x43: {  	_ =	shalt  }
0x44: {  	_ =	shalt  }
0x45: {  	_ =	shalt  }
0x46: {  	_ =	shalt  }
0x47: {  	_ =	shalt  }
0x48: {  	_ =	shalt  }
0x49: {  	_ =	shalt  }
0x4a: {  	_ =	shalt  }
0x4b: {  	_ =	shalt  }
0x4c: {  	_ =	shalt  }
0x4d: {  	_ =	shalt  }
0x4e: {  	_ =	shalt  }
0x4f: {  	_ =	shalt  }
0x50: {  	_ =	shalt  }
0x51: {  	_ =	shalt  }
0x52: {  	_ =	shalt  }
0x53: {  	_ =	shalt  }
0x54: {  	_ =	shalt  }
0x55: {  	_ =	shalt  }
0x56: {  	_ =	shalt  }
0x57: {  	_ =	shalt  }
0x58: {  	_ =	shalt  }
0x59: {  	_ =	shalt  }
0x5a: {  	_ =	shalt  }
0x5b: {  	_ =	shalt  }
0x5c: {  	_ =	shalt  }
0x5d: {  	_ =	shalt  }
0x5e: {  	_ =	shalt  }
0x5f: {  	_ =	shalt  }
0x60: {  	_ =	shalt  }
0x61: {  	_ =	shalt  }
0x62: {  	_ =	shalt  }
0x63: {  	_ =	shalt  }
0x64: {  	_ =	shalt  }
0x65: {  	_ =	shalt  }
0x66: {  	_ =	shalt  }
0x67: {  	_ =	shalt  }
0x68: {  	_ =	shalt  }
0x69: {  	_ =	shalt  }
0x6a: {  	_ =	shalt  }
0x6b: {  	_ =	shalt  }
0x6c: {  	_ =	shalt  }
0x6d: {  	_ =	shalt  }
0x6e: {  	_ =	shalt  }
0x6f: {  	_ =	shalt  }
0x70: {  	_ =	shalt  }
0x71: {  	_ =	shalt  }
0x72: {  	_ =	shalt  }
0x73: {  	_ =	shalt  }
0x74: {  	_ =	shalt  }
0x75: {  	_ =	shalt  }
0x76: {  	_ =	shalt  }
0x77: {  	_ =	shalt  }
0x78: {  	_ =	shalt  }
0x79: {  	_ =	shalt  }
0x7a: {  	_ =	shalt  }
0x7b: {  	_ =	shalt  }
0x7c: {  	_ =	shalt  }
0x7d: {  	_ =	shalt  }
0x7e: {  	_ =	shalt  }
0x7f: {  	_ =	shalt  }
0x80: {  	_ =	shalt  }
0x81: {  	_ =	shalt  }
0x82: {  	_ =	shalt  }
0x83: {  	_ =	shalt  }
0x84: {  	_ =	shalt  }
0x85: {  	_ =	shalt  }
0x86: {  	_ =	shalt  }
0x87: {  	_ =	shalt  }
.Lfunc_end0:
.L_simem_size_0:
called_computation_lowered:
.L_overlay_start_0:
0x88: {  	s2 =	sld [smem:$0x3FD9]  }
0x89: {  	s3 =	sld [smem:$0x3FFE];
	_ =	sdelay $0x1  }
0x8a: {  	s1 =	srdreg.scid  }
0x8b: {  	s0 =	sand.u32 $0x1, s1  }
0x8c: {  	s18 =	sshll.u32 s0, $0xA;
	s2 =	sadd.s32 s3, s2  }
0x8d: {  	s2 =	sadd.s32 s2, s18  }
0x8e: {  	[smem:$0x3FC6] =	sst s2  }
0x8f: {  	_ = 	snop  }
0x90: {  	s2 =	sld [smem:$0x3FC9]  }
0x91: {  	s19 =	sld [smem:$0x3FC8]  }
0x92: {  	s4 =	sld [smem:$0x3FD0];
	(tm) =	ssettm $0x1  }
0x93: {  	s5 =	sld [smem:$0x3FFB];
	_ =	sdelay $0x3  }
0x94: {  	_ =	strace s5  }
0x95: {  	s5 =	sld [smem:$0x3FFC];
	_ =	sdelay $0x3  }
0x96: {  	_ =	strace s5  }
0x97: {  	s5 =	sld [smem:$0x3FFD];
	_ =	sdelay $0x3  }
0x98: {  	_ =	strace s5  }
0x99: {  	_ =	strace $0x8FFFFFFF  }
0x9a: {  	s20 =	sld [smem:$0x3FDB];
	_ =	sdelay $0x1  }
0x9b: {  	s6 =	simm.s32 $_scs_section_size  }
0x9c: {  	s7 =	simm.s32 $_size__tile_overlayer_lowered;
	s8 =	simm.s32 $_tile_overlayer_lowered  }
0x9d: {  	s23 =	simm.s32 $0x1BFF;
	s22 =	sshll.u32 s8, $0x1;
	s5 =	sadd.s32 s6, s20  }
0x9e: {  	s9 =	simm.s32 $0x0;
	s21 =	sshll.u32 s7, $0x1;
	s7 =	sadd.s32 s22, s5  }
0x9f: {  	[timem:s9], [sflag:s23] =	dma.local [hbm:s7], s21  }
0xa0: {  	_ =	swait.ge [sflag:s23], s21  }
0xa1: {  	s6 =	ssub.s32 $0x0, s21;
	[sflag:s23] =	ssyncset.done $0x0  }
0xa2: {  	[sflag:s23] =	ssyncadd.s32 s6;
	_ =	sdelay $0x1  }
0xa3: {  	s24 =	simm.s32 $0x1B8B  }
0xa4: {  	_ =	swait.ge [sflag:s24], $0x1  }
0xa5: {  	[sflag:s24] =	ssyncset.done $0x0  }
0xa6: {  	s25 =	simm.s32 $0x1B8E;
	[sflag:s24] =	ssyncadd.s32 $0xFFFFFFFF  }
0xa7: {  	s26 =	simm.s32 $execute0_lowered;
	[smem:$0x3FD2] =	sst s25  }
0xa8: {  	s6 =	sshll.u32 s26, $0x1;
	_ =	strace $0x80000046;
	[dreg:$0x1] =	wrdreg $0xFFFFFFFF  }
0xa9: {  	s28 =	simm.s32 $_size_execute0_lowered;
	s5 =	sadd.s32 s5, s6;
	[dreg:$0x0] =	wrdreg $0x0  }
0xaa: {  	s6 =	sshll.u32 s28, $0x1;
	[dreg:$0x2] =	wrdreg s5  }
0xab: {  	[dreg:$0x3] =	wrdreg s6  }
0xac: {  	[dreg:$0x4] =	wrdreg $0xC0  }
0xad: {  	_ =	task [dreg:s9], $0x5FFFF  }
0xae: {  	[dreg:$0x1] =	wrdreg $0xFFFFFFFF  }
0xaf: {  	[dreg:$0x0] =	wrdreg $0x60  }
0xb0: {  	[dreg:$0x2] =	wrdreg s19  }
0xb1: {  	[dreg:$0x3] =	wrdreg s2  }
0xb2: {  	[dreg:$0x4] =	wrdreg s4  }
0xb3: {  	[dreg:$0x5] =	wrdreg $0x9  }
0xb4: {  	_ =	task.clear_ibuf [dreg:s9], $0x6FFFF;
	_ =	strace $0x90000046  }
0xb5: {  	s29 =	simm.s32 $0x9;
	_ =	strace $0x80000048  }
0xb6: {  	_ =	swait.ge [sflag:s29], $0x1  }
0xb7: {  	[sflag:s29] =	ssyncadd.s32 $0xFFFFFFFF  }
0xb8: {  	_ =	strace $0x90000048  }
0xb9: {  	_ =	sfence  }
0xba: {  	s30 =	sld [smem:$0x0];
	_ =	sdelay $0x2  }
0xbb: {  	s31 =	sshll.u32 s1, $0xD;
	s1 =	sshrl.u32 s1, $0x2  }
0xbc: {  	s3 =	sand.u32 $0x4000, s31;
	s1 =	sadd.s32 s1, s30  }
0xbd: {  	s0 =	sor.u32 s3, s0;
	s1 =	sshll.u32 s1, $0x11  }
0xbe: {  	s0 =	sor.u32 s1, s0  }
0xbf: {  	s0 =	sadd.s32 $0x8F2B, s0  }
0xc0: {  	[sflag:s0] =	ssyncadd.remote.s32 $0x1  }
0xc1: {  	_ =	sfence.sel $0xFFFF  }
0xc2: {  	[dreg:$0x0] =	wrdreg $0xFFFFFFFF;
	(pc) =	sbr.abs _section_cstart, $3  }
0xc3: {  	[dreg:$0x1] =	wrdreg $0xFFFFFFFF  }
0xc4: {  	_ =	task.clear_ibuf [dreg:s9], $0x2FFFF;
	_ =	strace $0x9FFFFFFF  }
0xc5: {  	(tm) =	ssettm $0x7FFFFFFF  }
tec
execute0_lowered:
.L_overlay_start_1:
0x0: {  	(tag) =	ssettag $0x1  }
0x1: {  	s1 =	rddreg [dreg:$0x0]  }
0x2: {  	s0 =	rddreg [dreg:$0x1]  }
0x3: {  	s2 =	rddreg [dreg:$0x2];
	s4 =	srdreg.scid  }
0x4: {  	s3 =	simm.s32 $0x0;
	s9 =	stileid.u32;
	s28 =	simm.s32 $0x800  }
0x5: {  	s30 =	simm.s32 $0x5000;
	s29 =	simm.s32 $0x6800;
	s13 =	simm.s32 $0x9000  }
0x6: {  	s15 =	simm.s32 $0xC800;
	s12 =	simm.s32 $0x18800;
	s31 =	simm.s32 $0x1  }
0x7: {  	s10 =	simm.s32 $0x7;
	s11 =	simm.s32 $0xC;
	s14 =	simm.s32 $0x0  }
0x8: {  	s4 =	sand.u32 $0x1, s4;
	[smem:$0x7FF] =	sst s3;
	s5 =	sshll.u32 s9, $0xC  }
0x9: {  	s22 =	sshll.u32 s9, $0x12;
	s9 =	simm.s32 $0x6;
	s6 =	sshll.u32 s4, $0xB  }
0xa: {  	_ =	strace $0x80000047;
	s7 =	ssub.s32 $0x2, s4;
	s5 =	sor.u32 s6, s5  }
0xb: {  	[dreg:$0xf] =	wrdreg s14;
	s16 =	sshrl.u32 s7, $0x1;
	s8 =	sshrl.u32 s5, $0x3  }
0xc: {  	s5 =	sshll.u32 s5, $0x6;
	s6 =	ssub.s32 s7, s16;
	s0 =	sadd.s32 s0, s8  }
0xd: {  	s17 =	sadd.s32 s5, s2;
	s26 =	smax.u32 s6, $0x1;
	[dreg:$0x5] =	wrdreg s0  }
0xe: {  	s4 =	sshll.u32 s4, $0x11;
	s18 =	sadd.s32 $0x1C000, s17;
	[dreg:$0xe] =	wrdreg s26  }
0xf: {  	s16 =	simm.s32 $0x8800;
	s19 =	sadd.s32 $0x1C800, s17;
	[dreg:$0x6] =	wrdreg s18  }
0x10: {  	s7 =	simm.s32 $0x8;
	s20 =	sadd.s32 $0x1D000, s17;
	[dreg:$0x7] =	wrdreg s19  }
0x11: {  	s5 =	sadd.s32 $0x100, s1;
	s21 =	sadd.s32 $0x1D800, s17;
	[dreg:$0x8] =	wrdreg s20  }
0x12: {  	s2 =	sadd.s32 s22, s2;
	s23 =	sadd.s32 $0x1E000, s17;
	[dreg:$0x9] =	wrdreg s21  }
0x13: {  	s6 =	simm.s32 $0x4;
	s24 =	sadd.s32 $0x1E800, s17;
	[dreg:$0xa] =	wrdreg s23  }
0x14: {  	s8 =	simm.s32 $0x9;
	s25 =	sadd.s32 $0x1F000, s17;
	[dreg:$0xb] =	wrdreg s24  }
0x15: {  	s22 =	simm.s32 $0xE;
	s0 =	sadd.s32 $0x1F800, s17;
	[dreg:$0xc] =	wrdreg s25  }
0x16: {  	s2 =	sadd.s32 s4, s2;
	s26 =	simm.s32 $0x14800;
	[dreg:$0xd] =	wrdreg s0  }
0x17: {  	s4 =	simm.s32 $0x3;
	s17 =	simm.s32 $0x5;
	[dreg:$0x4] =	wrdreg s2  }
0x18: {  	v2 =	vlaneseq.u32;
	s2 =	simm.s32 $0x4800;
	s23 =	simm.s32 $0x5800;
	s25 =	simm.s32 $0x6000  }
0x19: {  	vm0 =	vmmov $0xffff;
	v1 =	vshrl.u32 v2, $0x3;
	s18 =	simm.s32 $0x7800;
	s24 =	simm.s32 $0x10800;
	s0 =	simm.s32 $0x2  }
0x1a: {  	v0 =	vand.u32 $0x7, v2;
	v2 =	vor.u32 $0x8, v2;
	v1 =	vmul.u32 $0x8, v1;
	s19 =	simm.s32 $0xA;
	s20 =	simm.s32 $0xB;
	s21 =	simm.s32 $0xD  }
.LBB2_1:
0x1b: {  	s14 =	rddreg [dreg:$0x5]  }
0x1c: {  	[tilespmem:s3], [sflag:$0xF] =	stream.linear.gather [hbm4b:s14+s3], $0x800, $0x38;
	[tilespmem:$0x1C800] =	vst v63  }
0x1d: {  	s14 =	simm.s32 $0xF  }
0x1e: {  	_ =	swait.ge [sflag:s14], $0x800  }
0x1f: {  	[sflag:s14] =	ssyncset.done $0x0  }
0x20: {  	[sflag:s14] =	ssyncadd.s32 $0xFFFFF800  }
0x21: {  	v3 =	vld [tilespmem:$0x0];
	_ =	sdelay $0x4  }
0x22: {  	v4 =	vshll.u32 v3, $0x2  }
0x23: {  	v3 =	vand.u32 $0x7, v3;
	v4 =	vand.u32 $0xFFFFFFE0, v4  }
0x24: {  	v3 =	vor.u32 v3, v4  }
0x25: {  	v4 =	vperm.xlane v3, v0;
	_ =	sdelay $0x1  }
0x26: {  	v4 =	vadd.s32 v1, v4;
	_ =	sdelay $0x1  }
0x27: {  	v3 =	vperm.xlane v3, v2;
	_ =	sdelay $0x1  }
0x28: {  	v3 =	vadd.s32 v1, v3  }
0x29: {  	[tilespmem:s28], [sflag:$0x1] =	stream.indirect_vreg.gather [hbm4b:s1+s3], $0x80, v4, vm0, $0xb8;
	[tilespmem:$0x1C800] =	vst v63  }
0x2a: {  	s14 =	simm.s32 $0x1000  }
0x2b: {  	[tilespmem:s14], [sflag:$0x1] =	stream.indirect_vreg.gather [hbm4b:s5+s3], $0x80, v4, vm0, $0xb8;
	[tilespmem:$0x1C800] =	vst v63  }
0x2c: {  	s14 =	simm.s32 $0x1800  }
0x2d: {  	[tilespmem:s14], [sflag:$0x1] =	stream.indirect_vreg.gather [hbm4b:s1+s3], $0x80, v3, vm0, $0xb8;
	[tilespmem:$0x1C800] =	vst v63  }
0x2e: {  	s14 =	simm.s32 $0x2000  }
0x2f: {  	[tilespmem:s14], [sflag:$0x1] =	stream.indirect_vreg.gather [hbm4b:s5+s3], $0x80, v3, vm0, $0xb8;
	[tilespmem:$0x1C800] =	vst v63  }
0x30: {  	v3 =	vld [tilespmem:$0x10];
	_ =	sdelay $0x4  }
0x31: {  	v51 =	vshll.u32 v3, $0x2  }
0x32: {  	v3 =	vand.u32 $0x7, v3;
	v4 =	vand.u32 $0xFFFFFFE0, v51  }
0x33: {  	v3 =	vor.u32 v3, v4  }
0x34: {  	v4 =	vperm.xlane v3, v0;
	_ =	sdelay $0x1  }
0x35: {  	v4 =	vadd.s32 v1, v4;
	_ =	sdelay $0x1  }
0x36: {  	v3 =	vperm.xlane v3, v2;
	_ =	sdelay $0x1  }
0x37: {  	s14 =	simm.s32 $0x2800;
	v3 =	vadd.s32 v1, v3  }
0x38: {  	[tilespmem:s14], [sflag:$0x1] =	stream.indirect_vreg.gather [hbm4b:s1+s3], $0x80, v4, vm0, $0xb8;
	[tilespmem:$0x1C800] =	vst v63  }
0x39: {  	s14 =	simm.s32 $0x3000  }
0x3a: {  	[tilespmem:s14], [sflag:$0x1] =	stream.indirect_vreg.gather [hbm4b:s5+s3], $0x80, v4, vm0, $0xb8;
	[tilespmem:$0x1C800] =	vst v63  }
0x3b: {  	s14 =	simm.s32 $0x3800  }
0x3c: {  	[tilespmem:s14], [sflag:$0x1] =	stream.indirect_vreg.gather [hbm4b:s1+s3], $0x80, v3, vm0, $0xb8;
	[tilespmem:$0x1C800] =	vst v63  }
0x3d: {  	s14 =	simm.s32 $0x4000  }
0x3e: {  	[tilespmem:s14], [sflag:$0x1] =	stream.indirect_vreg.gather [hbm4b:s5+s3], $0x80, v3, vm0, $0xb8;
	[tilespmem:$0x1C800] =	vst v63  }
0x3f: {  	v3 =	vld [tilespmem:$0x20];
	_ =	sdelay $0x4  }
0x40: {  	v52 =	vshll.u32 v3, $0x2  }
0x41: {  	v3 =	vand.u32 $0x7, v3;
	v4 =	vand.u32 $0xFFFFFFE0, v52  }
0x42: {  	v3 =	vor.u32 v3, v4  }
0x43: {  	v4 =	vperm.xlane v3, v0;
	_ =	sdelay $0x1  }
0x44: {  	v4 =	vadd.s32 v1, v4;
	_ =	sdelay $0x1  }
0x45: {  	v3 =	vperm.xlane v3, v2;
	_ =	sdelay $0x1  }
0x46: {  	v3 =	vadd.s32 v1, v3  }
0x47: {  	[tilespmem:s2], [sflag:$0x2] =	stream.indirect_vreg.gather [hbm4b:s1+s3], $0x80, v4, vm0, $0xb8;
	[tilespmem:$0x1C800] =	vst v63  }
0x48: {  	_ = 	snop  }
0x49: {  	[tilespmem:s30], [sflag:$0x2] =	stream.indirect_vreg.gather [hbm4b:s5+s3], $0x80, v4, vm0, $0xb8;
	[tilespmem:$0x1C800] =	vst v63  }
0x4a: {  	_ = 	snop  }
0x4b: {  	[tilespmem:s23], [sflag:$0x2] =	stream.indirect_vreg.gather [hbm4b:s1+s3], $0x80, v3, vm0, $0xb8;
	[tilespmem:$0x1C800] =	vst v63  }
0x4c: {  	_ = 	snop  }
0x4d: {  	[tilespmem:s25], [sflag:$0x2] =	stream.indirect_vreg.gather [hbm4b:s5+s3], $0x80, v3, vm0, $0xb8;
	[tilespmem:$0x1C800] =	vst v63  }
0x4e: {  	v3 =	vld [tilespmem:$0x30];
	_ =	sdelay $0x4  }
0x4f: {  	v53 =	vshll.u32 v3, $0x2  }
0x50: {  	v3 =	vand.u32 $0x7, v3;
	v4 =	vand.u32 $0xFFFFFFE0, v53  }
0x51: {  	v3 =	vor.u32 v3, v4  }
0x52: {  	v4 =	vperm.xlane v3, v0;
	_ =	sdelay $0x1  }
0x53: {  	v4 =	vadd.s32 v1, v4;
	_ =	sdelay $0x1  }
0x54: {  	v3 =	vperm.xlane v3, v2;
	_ =	sdelay $0x1  }
0x55: {  	v3 =	vadd.s32 v1, v3  }
0x56: {  	[tilespmem:s29], [sflag:$0x2] =	stream.indirect_vreg.gather [hbm4b:s1+s3], $0x80, v4, vm0, $0xb8;
	[tilespmem:$0x1C800] =	vst v63  }
0x57: {  	s23 =	simm.s32 $0x7000  }
0x58: {  	[tilespmem:s23], [sflag:$0x2] =	stream.indirect_vreg.gather [hbm4b:s5+s3], $0x80, v4, vm0, $0xb8;
	[tilespmem:$0x1C800] =	vst v63  }
0x59: {  	_ = 	snop  }
0x5a: {  	[tilespmem:s18], [sflag:$0x2] =	stream.indirect_vreg.gather [hbm4b:s1+s3], $0x80, v3, vm0, $0xb8;
	[tilespmem:$0x1C800] =	vst v63  }
0x5b: {  	s25 =	simm.s32 $0x8000  }
0x5c: {  	[tilespmem:s25], [sflag:$0x2] =	stream.indirect_vreg.gather [hbm4b:s5+s3], $0x80, v3, vm0, $0xb8;
	[tilespmem:$0x1C800] =	vst v63  }
0x5d: {  	v3 =	vld [tilespmem:$0x40];
	_ =	sdelay $0x4  }
0x5e: {  	v54 =	vshll.u32 v3, $0x2  }
0x5f: {  	v3 =	vand.u32 $0x7, v3;
	v4 =	vand.u32 $0xFFFFFFE0, v54  }
0x60: {  	v3 =	vor.u32 v3, v4  }
0x61: {  	v4 =	vperm.xlane v3, v0;
	_ =	sdelay $0x1  }
0x62: {  	v4 =	vadd.s32 v1, v4;
	_ =	sdelay $0x1  }
0x63: {  	v3 =	vperm.xlane v3, v2;
	_ =	sdelay $0x1  }
0x64: {  	v3 =	vadd.s32 v1, v3  }
0x65: {  	[tilespmem:s16], [sflag:$0x3] =	stream.indirect_vreg.gather [hbm4b:s1+s3], $0x80, v4, vm0, $0xb8;
	[tilespmem:$0x1C800] =	vst v63  }
0x66: {  	_ = 	snop  }
0x67: {  	[tilespmem:s13], [sflag:$0x3] =	stream.indirect_vreg.gather [hbm4b:s5+s3], $0x80, v4, vm0, $0xb8;
	[tilespmem:$0x1C800] =	vst v63  }
0x68: {  	s14 =	simm.s32 $0x9800  }
0x69: {  	[tilespmem:s14], [sflag:$0x3] =	stream.indirect_vreg.gather [hbm4b:s1+s3], $0x80, v3, vm0, $0xb8;
	[tilespmem:$0x1C800] =	vst v63  }
0x6a: {  	s16 =	simm.s32 $0xA000  }
0x6b: {  	[tilespmem:s16], [sflag:$0x3] =	stream.indirect_vreg.gather [hbm4b:s5+s3], $0x80, v3, vm0, $0xb8;
	[tilespmem:$0x1C800] =	vst v63  }
0x6c: {  	v3 =	vld [tilespmem:$0x50];
	_ =	sdelay $0x4  }
0x6d: {  	v55 =	vshll.u32 v3, $0x2  }
0x6e: {  	v3 =	vand.u32 $0x7, v3;
	v4 =	vand.u32 $0xFFFFFFE0, v55  }
0x6f: {  	v3 =	vor.u32 v3, v4  }
0x70: {  	v4 =	vperm.xlane v3, v0;
	_ =	sdelay $0x1  }
0x71: {  	v4 =	vadd.s32 v1, v4;
	_ =	sdelay $0x1  }
0x72: {  	v3 =	vperm.xlane v3, v2;
	_ =	sdelay $0x1  }
0x73: {  	s18 =	simm.s32 $0xA800;
	v3 =	vadd.s32 v1, v3  }
0x74: {  	[tilespmem:s18], [sflag:$0x3] =	stream.indirect_vreg.gather [hbm4b:s1+s3], $0x80, v4, vm0, $0xb8;
	[tilespmem:$0x1C800] =	vst v63  }
0x75: {  	s23 =	simm.s32 $0xB000  }
0x76: {  	[tilespmem:s23], [sflag:$0x3] =	stream.indirect_vreg.gather [hbm4b:s5+s3], $0x80, v4, vm0, $0xb8;
	[tilespmem:$0x1C800] =	vst v63  }
0x77: {  	s25 =	simm.s32 $0xB800  }
0x78: {  	[tilespmem:s25], [sflag:$0x3] =	stream.indirect_vreg.gather [hbm4b:s1+s3], $0x80, v3, vm0, $0xb8;
	[tilespmem:$0x1C800] =	vst v63  }
0x79: {  	s13 =	simm.s32 $0xC000  }
0x7a: {  	[tilespmem:s13], [sflag:$0x3] =	stream.indirect_vreg.gather [hbm4b:s5+s3], $0x80, v3, vm0, $0xb8;
	[tilespmem:$0x1C800] =	vst v63  }
0x7b: {  	v3 =	vld [tilespmem:$0x60];
	_ =	sdelay $0x4  }
0x7c: {  	v56 =	vshll.u32 v3, $0x2  }
0x7d: {  	v3 =	vand.u32 $0x7, v3;
	v4 =	vand.u32 $0xFFFFFFE0, v56  }
0x7e: {  	v3 =	vor.u32 v3, v4  }
0x7f: {  	v4 =	vperm.xlane v3, v0;
	_ =	sdelay $0x1  }
0x80: {  	v4 =	vadd.s32 v1, v4;
	_ =	sdelay $0x1  }
0x81: {  	v3 =	vperm.xlane v3, v2;
	_ =	sdelay $0x1  }
0x82: {  	v3 =	vadd.s32 v1, v3  }
0x83: {  	[tilespmem:s15], [sflag:$0x4] =	stream.indirect_vreg.gather [hbm4b:s1+s3], $0x80, v4, vm0, $0xb8;
	[tilespmem:$0x1C800] =	vst v63  }
0x84: {  	s14 =	simm.s32 $0xD000  }
0x85: {  	[tilespmem:s14], [sflag:$0x4] =	stream.indirect_vreg.gather [hbm4b:s5+s3], $0x80, v4, vm0, $0xb8;
	[tilespmem:$0x1C800] =	vst v63  }
0x86: {  	s15 =	simm.s32 $0xD800  }
0x87: {  	[tilespmem:s15], [sflag:$0x4] =	stream.indirect_vreg.gather [hbm4b:s1+s3], $0x80, v3, vm0, $0xb8;
	[tilespmem:$0x1C800] =	vst v63  }
0x88: {  	s16 =	simm.s32 $0xE000  }
0x89: {  	[tilespmem:s16], [sflag:$0x4] =	stream.indirect_vreg.gather [hbm4b:s5+s3], $0x80, v3, vm0, $0xb8;
	[tilespmem:$0x1C800] =	vst v63  }
0x8a: {  	v3 =	vld [tilespmem:$0x70];
	_ =	sdelay $0x4  }
0x8b: {  	v57 =	vshll.u32 v3, $0x2  }
0x8c: {  	v3 =	vand.u32 $0x7, v3;
	v4 =	vand.u32 $0xFFFFFFE0, v57  }
0x8d: {  	v3 =	vor.u32 v3, v4  }
0x8e: {  	v4 =	vperm.xlane v3, v0;
	_ =	sdelay $0x1  }
0x8f: {  	v4 =	vadd.s32 v1, v4;
	_ =	sdelay $0x1  }
0x90: {  	v3 =	vperm.xlane v3, v2;
	_ =	sdelay $0x1  }
0x91: {  	s18 =	simm.s32 $0xE800;
	v3 =	vadd.s32 v1, v3  }
0x92: {  	[tilespmem:s18], [sflag:$0x4] =	stream.indirect_vreg.gather [hbm4b:s1+s3], $0x80, v4, vm0, $0xb8;
	[tilespmem:$0x1C800] =	vst v63  }
0x93: {  	s23 =	simm.s32 $0xF000  }
0x94: {  	[tilespmem:s23], [sflag:$0x4] =	stream.indirect_vreg.gather [hbm4b:s5+s3], $0x80, v4, vm0, $0xb8;
	[tilespmem:$0x1C800] =	vst v63  }
0x95: {  	s25 =	simm.s32 $0xF800  }
0x96: {  	[tilespmem:s25], [sflag:$0x4] =	stream.indirect_vreg.gather [hbm4b:s1+s3], $0x80, v3, vm0, $0xb8;
	[tilespmem:$0x1C800] =	vst v63  }
0x97: {  	s13 =	simm.s32 $0x10000  }
0x98: {  	[tilespmem:s13], [sflag:$0x4] =	stream.indirect_vreg.gather [hbm4b:s5+s3], $0x80, v3, vm0, $0xb8;
	[tilespmem:$0x1C800] =	vst v63  }
0x99: {  	v3 =	vld [tilespmem:$0x80];
	_ =	sdelay $0x4  }
0x9a: {  	v58 =	vshll.u32 v3, $0x2  }
0x9b: {  	v3 =	vand.u32 $0x7, v3;
	v4 =	vand.u32 $0xFFFFFFE0, v58  }
0x9c: {  	v3 =	vor.u32 v3, v4  }
0x9d: {  	v4 =	vperm.xlane v3, v0;
	_ =	sdelay $0x1  }
0x9e: {  	v4 =	vadd.s32 v1, v4;
	_ =	sdelay $0x1  }
0x9f: {  	v3 =	vperm.xlane v3, v2;
	_ =	sdelay $0x1  }
0xa0: {  	v3 =	vadd.s32 v1, v3  }
0xa1: {  	[tilespmem:s24], [sflag:$0x5] =	stream.indirect_vreg.gather [hbm4b:s1+s3], $0x80, v4, vm0, $0xb8;
	[tilespmem:$0x1C800] =	vst v63  }
0xa2: {  	s14 =	simm.s32 $0x11000  }
0xa3: {  	[tilespmem:s14], [sflag:$0x5] =	stream.indirect_vreg.gather [hbm4b:s5+s3], $0x80, v4, vm0, $0xb8;
	[tilespmem:$0x1C800] =	vst v63  }
0xa4: {  	s15 =	simm.s32 $0x11800  }
0xa5: {  	[tilespmem:s15], [sflag:$0x5] =	stream.indirect_vreg.gather [hbm4b:s1+s3], $0x80, v3, vm0, $0xb8;
	[tilespmem:$0x1C800] =	vst v63  }
0xa6: {  	s16 =	simm.s32 $0x12000  }
0xa7: {  	[tilespmem:s16], [sflag:$0x5] =	stream.indirect_vreg.gather [hbm4b:s5+s3], $0x80, v3, vm0, $0xb8;
	[tilespmem:$0x1C800] =	vst v63  }
0xa8: {  	v3 =	vld [tilespmem:$0x90];
	_ =	sdelay $0x4  }
0xa9: {  	v59 =	vshll.u32 v3, $0x2  }
0xaa: {  	v3 =	vand.u32 $0x7, v3;
	v4 =	vand.u32 $0xFFFFFFE0, v59  }
0xab: {  	v3 =	vor.u32 v3, v4  }
0xac: {  	v4 =	vperm.xlane v3, v0;
	_ =	sdelay $0x1  }
0xad: {  	v4 =	vadd.s32 v1, v4;
	_ =	sdelay $0x1  }
0xae: {  	v3 =	vperm.xlane v3, v2;
	_ =	sdelay $0x1  }
0xaf: {  	s18 =	simm.s32 $0x12800;
	v3 =	vadd.s32 v1, v3  }
0xb0: {  	[tilespmem:s18], [sflag:$0x5] =	stream.indirect_vreg.gather [hbm4b:s1+s3], $0x80, v4, vm0, $0xb8;
	[tilespmem:$0x1C800] =	vst v63  }
0xb1: {  	s23 =	simm.s32 $0x13000  }
0xb2: {  	[tilespmem:s23], [sflag:$0x5] =	stream.indirect_vreg.gather [hbm4b:s5+s3], $0x80, v4, vm0, $0xb8;
	[tilespmem:$0x1C800] =	vst v63  }
0xb3: {  	s24 =	simm.s32 $0x13800  }
0xb4: {  	[tilespmem:s24], [sflag:$0x5] =	stream.indirect_vreg.gather [hbm4b:s1+s3], $0x80, v3, vm0, $0xb8;
	[tilespmem:$0x1C800] =	vst v63  }
0xb5: {  	s25 =	simm.s32 $0x14000  }
0xb6: {  	[tilespmem:s25], [sflag:$0x5] =	stream.indirect_vreg.gather [hbm4b:s5+s3], $0x80, v3, vm0, $0xb8;
	[tilespmem:$0x1C800] =	vst v63  }
0xb7: {  	v3 =	vld [tilespmem:$0xA0];
	_ =	sdelay $0x4  }
0xb8: {  	v60 =	vshll.u32 v3, $0x2  }
0xb9: {  	v3 =	vand.u32 $0x7, v3;
	v4 =	vand.u32 $0xFFFFFFE0, v60  }
0xba: {  	v3 =	vor.u32 v3, v4  }
0xbb: {  	v4 =	vperm.xlane v3, v0;
	_ =	sdelay $0x1  }
0xbc: {  	v4 =	vadd.s32 v1, v4;
	_ =	sdelay $0x1  }
0xbd: {  	v3 =	vperm.xlane v3, v2;
	_ =	sdelay $0x1  }
0xbe: {  	v3 =	vadd.s32 v1, v3  }
0xbf: {  	[tilespmem:s26], [sflag:$0x6] =	stream.indirect_vreg.gather [hbm4b:s1+s3], $0x80, v4, vm0, $0xb8;
	[tilespmem:$0x1C800] =	vst v63  }
0xc0: {  	s26 =	simm.s32 $0x15000  }
0xc1: {  	[tilespmem:s26], [sflag:$0x6] =	stream.indirect_vreg.gather [hbm4b:s5+s3], $0x80, v4, vm0, $0xb8;
	[tilespmem:$0x1C800] =	vst v63  }
0xc2: {  	s13 =	simm.s32 $0x15800  }
0xc3: {  	[tilespmem:s13], [sflag:$0x6] =	stream.indirect_vreg.gather [hbm4b:s1+s3], $0x80, v3, vm0, $0xb8;
	[tilespmem:$0x1C800] =	vst v63  }
0xc4: {  	s14 =	simm.s32 $0x16000  }
0xc5: {  	[tilespmem:s14], [sflag:$0x6] =	stream.indirect_vreg.gather [hbm4b:s5+s3], $0x80, v3, vm0, $0xb8;
	[tilespmem:$0x1C800] =	vst v63  }
0xc6: {  	v3 =	vld [tilespmem:$0xB0];
	_ =	sdelay $0x4  }
0xc7: {  	v61 =	vshll.u32 v3, $0x2  }
0xc8: {  	v3 =	vand.u32 $0x7, v3;
	v4 =	vand.u32 $0xFFFFFFE0, v61  }
0xc9: {  	v3 =	vor.u32 v3, v4  }
0xca: {  	v4 =	vperm.xlane v3, v0;
	_ =	sdelay $0x1  }
0xcb: {  	v4 =	vadd.s32 v1, v4;
	_ =	sdelay $0x1  }
0xcc: {  	v3 =	vperm.xlane v3, v2;
	_ =	sdelay $0x1  }
0xcd: {  	s15 =	simm.s32 $0x16800;
	v3 =	vadd.s32 v1, v3  }
0xce: {  	[tilespmem:s15], [sflag:$0x6] =	stream.indirect_vreg.gather [hbm4b:s1+s3], $0x80, v4, vm0, $0xb8;
	[tilespmem:$0x1C800] =	vst v63  }
0xcf: {  	s16 =	simm.s32 $0x17000  }
0xd0: {  	[tilespmem:s16], [sflag:$0x6] =	stream.indirect_vreg.gather [hbm4b:s5+s3], $0x80, v4, vm0, $0xb8;
	[tilespmem:$0x1C800] =	vst v63  }
0xd1: {  	s18 =	simm.s32 $0x17800  }
0xd2: {  	[tilespmem:s18], [sflag:$0x6] =	stream.indirect_vreg.gather [hbm4b:s1+s3], $0x80, v3, vm0, $0xb8;
	[tilespmem:$0x1C800] =	vst v63  }
0xd3: {  	s23 =	simm.s32 $0x18000  }
0xd4: {  	[tilespmem:s23], [sflag:$0x6] =	stream.indirect_vreg.gather [hbm4b:s5+s3], $0x80, v3, vm0, $0xb8;
	[tilespmem:$0x1C800] =	vst v63  }
0xd5: {  	v3 =	vld [tilespmem:$0xC0];
	_ =	sdelay $0x4  }
0xd6: {  	v62 =	vshll.u32 v3, $0x2  }
0xd7: {  	v3 =	vand.u32 $0x7, v3;
	v4 =	vand.u32 $0xFFFFFFE0, v62  }
0xd8: {  	v3 =	vor.u32 v3, v4  }
0xd9: {  	v4 =	vperm.xlane v3, v0;
	_ =	sdelay $0x1  }
0xda: {  	v4 =	vadd.s32 v1, v4;
	_ =	sdelay $0x1  }
0xdb: {  	v3 =	vperm.xlane v3, v2;
	_ =	sdelay $0x1  }
0xdc: {  	v3 =	vadd.s32 v1, v3  }
0xdd: {  	[tilespmem:s12], [sflag:$0x7] =	stream.indirect_vreg.gather [hbm4b:s1+s3], $0x80, v4, vm0, $0xb8;
	[tilespmem:$0x1C800] =	vst v63  }
0xde: {  	s24 =	simm.s32 $0x19000  }
0xdf: {  	[tilespmem:s24], [sflag:$0x7] =	stream.indirect_vreg.gather [hbm4b:s5+s3], $0x80, v4, vm0, $0xb8;
	[tilespmem:$0x1C800] =	vst v63  }
0xe0: {  	s25 =	simm.s32 $0x19800  }
0xe1: {  	[tilespmem:s25], [sflag:$0x7] =	stream.indirect_vreg.gather [hbm4b:s1+s3], $0x80, v3, vm0, $0xb8;
	[tilespmem:$0x1C800] =	vst v63  }
0xe2: {  	s26 =	simm.s32 $0x1A000  }
0xe3: {  	[tilespmem:s26], [sflag:$0x7] =	stream.indirect_vreg.gather [hbm4b:s5+s3], $0x80, v3, vm0, $0xb8;
	[tilespmem:$0x1C800] =	vst v63  }
0xe4: {  	v3 =	vld [tilespmem:$0xD0];
	_ =	sdelay $0x4  }
0xe5: {  	v63 =	vshll.u32 v3, $0x2  }
0xe6: {  	v3 =	vand.u32 $0x7, v3;
	v4 =	vand.u32 $0xFFFFFFE0, v63  }
0xe7: {  	v3 =	vor.u32 v3, v4  }
0xe8: {  	v4 =	vperm.xlane v3, v0;
	_ =	sdelay $0x1  }
0xe9: {  	v4 =	vadd.s32 v1, v4;
	_ =	sdelay $0x1  }
0xea: {  	v3 =	vperm.xlane v3, v2;
	_ =	sdelay $0x1  }
0xeb: {  	s29 =	simm.s32 $0x1A800;
	v3 =	vadd.s32 v1, v3  }
0xec: {  	[tilespmem:s29], [sflag:$0x7] =	stream.indirect_vreg.gather [hbm4b:s1+s3], $0x80, v4, vm0, $0xb8;
	[tilespmem:$0x1C800] =	vst v63  }
0xed: {  	s30 =	simm.s32 $0x1B000  }
0xee: {  	[tilespmem:s30], [sflag:$0x7] =	stream.indirect_vreg.gather [hbm4b:s5+s3], $0x80, v4, vm0, $0xb8;
	[tilespmem:$0x1C800] =	vst v63  }
0xef: {  	s28 =	simm.s32 $0x1B800  }
0xf0: {  	[tilespmem:s28], [sflag:$0x7] =	stream.indirect_vreg.gather [hbm4b:s1+s3], $0x80, v3, vm0, $0xb8;
	[tilespmem:$0x1C800] =	vst v63  }
0xf1: {  	s14 =	simm.s32 $0x0;
	s18 =	simm.s32 $0x1C000;
	s23 =	simm.s32 $0x1B0  }
0xf2: {  	[tilespmem:s18], [sflag:$0x7] =	stream.indirect_vreg.gather [hbm4b:s5+s3], $0x80, v3, vm0, $0xb8;
	[tilespmem:$0x1C800] =	vst v63  }
.LBB2_2:
0xf3: {  	_ =	swait.ge [sflag:s31], $0x4000  }
0xf4: {  	s15 =	rddreg [dreg:$0x4];
	[sflag:s31] =	ssyncset.done $0x0  }
0xf5: {  	s2 =	simm.s32 $0x800;
	[sflag:s31] =	ssyncadd.s32 $0xFFFFC000;
	s15 =	sadd.s32 s14, s15  }
0xf6: {  	[hbm4b:s15+s3] =	stream.linear.scatter [tilespmem:s2], [sflag:$0x8], $0x4000, $0x38;
	[tilespmem:$0x1C800] =	vst v63  }
0xf7: {  	_ =	swait.ge [sflag:s0], $0x4000  }
0xf8: {  	[sflag:s0] =	ssyncset.done $0x0  }
0xf9: {  	s16 =	simm.s32 $0x4800;
	s25 =	sadd.s32 $0x800, s15;
	[sflag:s0] =	ssyncadd.s32 $0xFFFFC000  }
0xfa: {  	[hbm4b:s25+s3] =	stream.linear.scatter [tilespmem:s16], [sflag:$0x9], $0x4000, $0x38;
	[tilespmem:$0x1C800] =	vst v63  }
0xfb: {  	_ =	swait.ge [sflag:s4], $0x4000  }
0xfc: {  	[sflag:s4] =	ssyncset.done $0x0  }
0xfd: {  	s13 =	simm.s32 $0x8800;
	s24 =	sadd.s32 $0x1000, s15;
	[sflag:s4] =	ssyncadd.s32 $0xFFFFC000  }
0xfe: {  	[hbm4b:s24+s3] =	stream.linear.scatter [tilespmem:s13], [sflag:$0xA], $0x4000, $0x38;
	[tilespmem:$0x1C800] =	vst v63  }
0xff: {  	_ =	swait.ge [sflag:s6], $0x4000  }
0x100: {  	[sflag:s6] =	ssyncset.done $0x0  }
0x101: {  	s26 =	sadd.s32 $0x1800, s15;
	s24 =	simm.s32 $0xC800;
	[sflag:s6] =	ssyncadd.s32 $0xFFFFC000  }
0x102: {  	[hbm4b:s26+s3] =	stream.linear.scatter [tilespmem:s24], [sflag:$0xB], $0x4000, $0x38;
	[tilespmem:$0x1C800] =	vst v63  }
0x103: {  	_ =	swait.ge [sflag:s7], $0x4000  }
0x104: {  	[sflag:s7] =	ssyncset.done $0x0  }
0x105: {  	[sflag:s7] =	ssyncadd.s32 $0xFFFFC000  }
0x106: {  	v3 =	vld [tilespmem:s23+$0xFFFFFF30];
	_ =	sdelay $0x4  }
0x107: {  	v4 =	vshll.u32 v3, $0x2  }
0x108: {  	v3 =	vand.u32 $0x7, v3;
	v4 =	vand.u32 $0xFFFFFFE0, v4  }
0x109: {  	v3 =	vor.u32 v3, v4  }
0x10a: {  	v4 =	vperm.xlane v3, v0;
	_ =	sdelay $0x1  }
0x10b: {  	v4 =	vadd.s32 v1, v4;
	_ =	sdelay $0x1  }
0x10c: {  	v3 =	vperm.xlane v3, v2;
	_ =	sdelay $0x1  }
0x10d: {  	v3 =	vadd.s32 v1, v3  }
0x10e: {  	[tilespmem:s2], [sflag:$0x1] =	stream.indirect_vreg.gather [hbm4b:s1+s3], $0x80, v4, vm0, $0xb8;
	[tilespmem:$0x1C800] =	vst v63  }
0x10f: {  	s2 =	simm.s32 $0x1000  }
0x110: {  	[tilespmem:s2], [sflag:$0x1] =	stream.indirect_vreg.gather [hbm4b:s5+s3], $0x80, v4, vm0, $0xb8;
	[tilespmem:$0x1C800] =	vst v63  }
0x111: {  	s12 =	simm.s32 $0x1800  }
0x112: {  	[tilespmem:s12], [sflag:$0x1] =	stream.indirect_vreg.gather [hbm4b:s1+s3], $0x80, v3, vm0, $0xb8;
	[tilespmem:$0x1C800] =	vst v63  }
0x113: {  	s26 =	simm.s32 $0x2000  }
0x114: {  	[tilespmem:s26], [sflag:$0x1] =	stream.indirect_vreg.gather [hbm4b:s5+s3], $0x80, v3, vm0, $0xb8;
	[tilespmem:$0x1C800] =	vst v63  }
0x115: {  	v3 =	vld [tilespmem:s23+$0xFFFFFF40];
	_ =	sdelay $0x4  }
0x116: {  	v51 =	vshll.u32 v3, $0x2  }
0x117: {  	v3 =	vand.u32 $0x7, v3;
	v4 =	vand.u32 $0xFFFFFFE0, v51  }
0x118: {  	v3 =	vor.u32 v3, v4  }
0x119: {  	v4 =	vperm.xlane v3, v0;
	_ =	sdelay $0x1  }
0x11a: {  	v4 =	vadd.s32 v1, v4;
	_ =	sdelay $0x1  }
0x11b: {  	v3 =	vperm.xlane v3, v2;
	_ =	sdelay $0x1  }
0x11c: {  	s2 =	simm.s32 $0x2800;
	v3 =	vadd.s32 v1, v3  }
0x11d: {  	[tilespmem:s2], [sflag:$0x1] =	stream.indirect_vreg.gather [hbm4b:s1+s3], $0x80, v4, vm0, $0xb8;
	[tilespmem:$0x1C800] =	vst v63  }
0x11e: {  	s12 =	simm.s32 $0x3000  }
0x11f: {  	[tilespmem:s12], [sflag:$0x1] =	stream.indirect_vreg.gather [hbm4b:s5+s3], $0x80, v4, vm0, $0xb8;
	[tilespmem:$0x1C800] =	vst v63  }
0x120: {  	s26 =	simm.s32 $0x3800  }
0x121: {  	[tilespmem:s26], [sflag:$0x1] =	stream.indirect_vreg.gather [hbm4b:s1+s3], $0x80, v3, vm0, $0xb8;
	[tilespmem:$0x1C800] =	vst v63  }
0x122: {  	s2 =	simm.s32 $0x4000  }
0x123: {  	[tilespmem:s2], [sflag:$0x1] =	stream.indirect_vreg.gather [hbm4b:s5+s3], $0x80, v3, vm0, $0xb8;
	[tilespmem:$0x1C800] =	vst v63  }
0x124: {  	_ =	swait.ge [sflag:s17], $0x4000  }
0x125: {  	[sflag:s17] =	ssyncset.done $0x0  }
0x126: {  	s12 =	sadd.s32 $0x2000, s15;
	s26 =	simm.s32 $0x10800;
	[sflag:s17] =	ssyncadd.s32 $0xFFFFC000  }
0x127: {  	[hbm4b:s12+s3] =	stream.linear.scatter [tilespmem:s26], [sflag:$0xC], $0x4000, $0x38;
	[tilespmem:$0x1C800] =	vst v63  }
0x128: {  	_ =	swait.ge [sflag:s8], $0x4000  }
0x129: {  	[sflag:s8] =	ssyncset.done $0x0  }
0x12a: {  	[sflag:s8] =	ssyncadd.s32 $0xFFFFC000  }
0x12b: {  	v3 =	vld [tilespmem:s23+$0xFFFFFF50];
	_ =	sdelay $0x4  }
0x12c: {  	v52 =	vshll.u32 v3, $0x2  }
0x12d: {  	v3 =	vand.u32 $0x7, v3;
	v4 =	vand.u32 $0xFFFFFFE0, v52  }
0x12e: {  	v3 =	vor.u32 v3, v4  }
0x12f: {  	v4 =	vperm.xlane v3, v0;
	_ =	sdelay $0x1  }
0x130: {  	v4 =	vadd.s32 v1, v4;
	_ =	sdelay $0x1  }
0x131: {  	v3 =	vperm.xlane v3, v2;
	_ =	sdelay $0x1  }
0x132: {  	v3 =	vadd.s32 v1, v3  }
0x133: {  	[tilespmem:s16], [sflag:$0x2] =	stream.indirect_vreg.gather [hbm4b:s1+s3], $0x80, v4, vm0, $0xb8;
	[tilespmem:$0x1C800] =	vst v63  }
0x134: {  	s12 =	simm.s32 $0x5000  }
0x135: {  	[tilespmem:s12], [sflag:$0x2] =	stream.indirect_vreg.gather [hbm4b:s5+s3], $0x80, v4, vm0, $0xb8;
	[tilespmem:$0x1C800] =	vst v63  }
0x136: {  	s16 =	simm.s32 $0x5800  }
0x137: {  	[tilespmem:s16], [sflag:$0x2] =	stream.indirect_vreg.gather [hbm4b:s1+s3], $0x80, v3, vm0, $0xb8;
	[tilespmem:$0x1C800] =	vst v63  }
0x138: {  	s25 =	simm.s32 $0x6000  }
0x139: {  	[tilespmem:s25], [sflag:$0x2] =	stream.indirect_vreg.gather [hbm4b:s5+s3], $0x80, v3, vm0, $0xb8;
	[tilespmem:$0x1C800] =	vst v63  }
0x13a: {  	v3 =	vld [tilespmem:s23+$0xFFFFFF60];
	_ =	sdelay $0x4  }
0x13b: {  	v53 =	vshll.u32 v3, $0x2  }
0x13c: {  	v3 =	vand.u32 $0x7, v3;
	v4 =	vand.u32 $0xFFFFFFE0, v53  }
0x13d: {  	v3 =	vor.u32 v3, v4  }
0x13e: {  	v4 =	vperm.xlane v3, v0;
	_ =	sdelay $0x1  }
0x13f: {  	v4 =	vadd.s32 v1, v4;
	_ =	sdelay $0x1  }
0x140: {  	v3 =	vperm.xlane v3, v2;
	_ =	sdelay $0x1  }
0x141: {  	s16 =	simm.s32 $0x6800;
	v3 =	vadd.s32 v1, v3  }
0x142: {  	[tilespmem:s16], [sflag:$0x2] =	stream.indirect_vreg.gather [hbm4b:s1+s3], $0x80, v4, vm0, $0xb8;
	[tilespmem:$0x1C800] =	vst v63  }
0x143: {  	s25 =	simm.s32 $0x7000  }
0x144: {  	[tilespmem:s25], [sflag:$0x2] =	stream.indirect_vreg.gather [hbm4b:s5+s3], $0x80, v4, vm0, $0xb8;
	[tilespmem:$0x1C800] =	vst v63  }
0x145: {  	s16 =	simm.s32 $0x7800  }
0x146: {  	[tilespmem:s16], [sflag:$0x2] =	stream.indirect_vreg.gather [hbm4b:s1+s3], $0x80, v3, vm0, $0xb8;
	[tilespmem:$0x1C800] =	vst v63  }
0x147: {  	s25 =	simm.s32 $0x8000  }
0x148: {  	[tilespmem:s25], [sflag:$0x2] =	stream.indirect_vreg.gather [hbm4b:s5+s3], $0x80, v3, vm0, $0xb8;
	[tilespmem:$0x1C800] =	vst v63  }
0x149: {  	_ =	swait.ge [sflag:s9], $0x4000  }
0x14a: {  	[sflag:s9] =	ssyncset.done $0x0  }
0x14b: {  	s12 =	simm.s32 $0x14800;
	s16 =	sadd.s32 $0x2800, s15;
	[sflag:s9] =	ssyncadd.s32 $0xFFFFC000  }
0x14c: {  	[hbm4b:s16+s3] =	stream.linear.scatter [tilespmem:s12], [sflag:$0xD], $0x4000, $0x38;
	[tilespmem:$0x1C800] =	vst v63  }
0x14d: {  	_ =	swait.ge [sflag:s19], $0x4000  }
0x14e: {  	[sflag:s19] =	ssyncset.done $0x0  }
0x14f: {  	[sflag:s19] =	ssyncadd.s32 $0xFFFFC000  }
0x150: {  	v3 =	vld [tilespmem:s23+$0xFFFFFF70];
	_ =	sdelay $0x4  }
0x151: {  	v54 =	vshll.u32 v3, $0x2  }
0x152: {  	v3 =	vand.u32 $0x7, v3;
	v4 =	vand.u32 $0xFFFFFFE0, v54  }
0x153: {  	v3 =	vor.u32 v3, v4  }
0x154: {  	v4 =	vperm.xlane v3, v0;
	_ =	sdelay $0x1  }
0x155: {  	v4 =	vadd.s32 v1, v4;
	_ =	sdelay $0x1  }
0x156: {  	v3 =	vperm.xlane v3, v2;
	_ =	sdelay $0x1  }
0x157: {  	v3 =	vadd.s32 v1, v3  }
0x158: {  	[tilespmem:s13], [sflag:$0x3] =	stream.indirect_vreg.gather [hbm4b:s1+s3], $0x80, v4, vm0, $0xb8;
	[tilespmem:$0x1C800] =	vst v63  }
0x159: {  	s13 =	simm.s32 $0x9000  }
0x15a: {  	[tilespmem:s13], [sflag:$0x3] =	stream.indirect_vreg.gather [hbm4b:s5+s3], $0x80, v4, vm0, $0xb8;
	[tilespmem:$0x1C800] =	vst v63  }
0x15b: {  	s25 =	simm.s32 $0x9800  }
0x15c: {  	[tilespmem:s25], [sflag:$0x3] =	stream.indirect_vreg.gather [hbm4b:s1+s3], $0x80, v3, vm0, $0xb8;
	[tilespmem:$0x1C800] =	vst v63  }
0x15d: {  	s25 =	simm.s32 $0xA000  }
0x15e: {  	[tilespmem:s25], [sflag:$0x3] =	stream.indirect_vreg.gather [hbm4b:s5+s3], $0x80, v3, vm0, $0xb8;
	[tilespmem:$0x1C800] =	vst v63  }
0x15f: {  	v3 =	vld [tilespmem:s23+$0xFFFFFF80];
	_ =	sdelay $0x4  }
0x160: {  	v55 =	vshll.u32 v3, $0x2  }
0x161: {  	v3 =	vand.u32 $0x7, v3;
	v4 =	vand.u32 $0xFFFFFFE0, v55  }
0x162: {  	v3 =	vor.u32 v3, v4  }
0x163: {  	v4 =	vperm.xlane v3, v0;
	_ =	sdelay $0x1  }
0x164: {  	v4 =	vadd.s32 v1, v4;
	_ =	sdelay $0x1  }
0x165: {  	v3 =	vperm.xlane v3, v2;
	_ =	sdelay $0x1  }
0x166: {  	s25 =	simm.s32 $0xA800;
	v3 =	vadd.s32 v1, v3  }
0x167: {  	[tilespmem:s25], [sflag:$0x3] =	stream.indirect_vreg.gather [hbm4b:s1+s3], $0x80, v4, vm0, $0xb8;
	[tilespmem:$0x1C800] =	vst v63  }
0x168: {  	s25 =	simm.s32 $0xB000  }
0x169: {  	[tilespmem:s25], [sflag:$0x3] =	stream.indirect_vreg.gather [hbm4b:s5+s3], $0x80, v4, vm0, $0xb8;
	[tilespmem:$0x1C800] =	vst v63  }
0x16a: {  	s25 =	simm.s32 $0xB800  }
0x16b: {  	[tilespmem:s25], [sflag:$0x3] =	stream.indirect_vreg.gather [hbm4b:s1+s3], $0x80, v3, vm0, $0xb8;
	[tilespmem:$0x1C800] =	vst v63  }
0x16c: {  	s25 =	simm.s32 $0xC000  }
0x16d: {  	[tilespmem:s25], [sflag:$0x3] =	stream.indirect_vreg.gather [hbm4b:s5+s3], $0x80, v3, vm0, $0xb8;
	[tilespmem:$0x1C800] =	vst v63  }
0x16e: {  	_ =	swait.ge [sflag:s10], $0x4000  }
0x16f: {  	[sflag:s10] =	ssyncset.done $0x0  }
0x170: {  	s15 =	sadd.s32 $0x3000, s15;
	s25 =	simm.s32 $0x18800;
	[sflag:s10] =	ssyncadd.s32 $0xFFFFC000  }
0x171: {  	[hbm4b:s15+s3] =	stream.linear.scatter [tilespmem:s25], [sflag:$0xE], $0x4000, $0x38;
	[tilespmem:$0x1C800] =	vst v63  }
0x172: {  	_ =	swait.ge [sflag:s20], $0x4000  }
0x173: {  	[sflag:s20] =	ssyncset.done $0x0  }
0x174: {  	[sflag:s20] =	ssyncadd.s32 $0xFFFFC000  }
0x175: {  	v3 =	vld [tilespmem:s23+$0xFFFFFF90];
	_ =	sdelay $0x4  }
0x176: {  	v56 =	vshll.u32 v3, $0x2  }
0x177: {  	v3 =	vand.u32 $0x7, v3;
	v4 =	vand.u32 $0xFFFFFFE0, v56  }
0x178: {  	v3 =	vor.u32 v3, v4  }
0x179: {  	v4 =	vperm.xlane v3, v0;
	_ =	sdelay $0x1  }
0x17a: {  	v4 =	vadd.s32 v1, v4;
	_ =	sdelay $0x1  }
0x17b: {  	v3 =	vperm.xlane v3, v2;
	_ =	sdelay $0x1  }
0x17c: {  	v3 =	vadd.s32 v1, v3  }
0x17d: {  	[tilespmem:s24], [sflag:$0x4] =	stream.indirect_vreg.gather [hbm4b:s1+s3], $0x80, v4, vm0, $0xb8;
	[tilespmem:$0x1C800] =	vst v63  }
0x17e: {  	s24 =	simm.s32 $0xD000  }
0x17f: {  	[tilespmem:s24], [sflag:$0x4] =	stream.indirect_vreg.gather [hbm4b:s5+s3], $0x80, v4, vm0, $0xb8;
	[tilespmem:$0x1C800] =	vst v63  }
0x180: {  	s24 =	simm.s32 $0xD800  }
0x181: {  	[tilespmem:s24], [sflag:$0x4] =	stream.indirect_vreg.gather [hbm4b:s1+s3], $0x80, v3, vm0, $0xb8;
	[tilespmem:$0x1C800] =	vst v63  }
0x182: {  	s24 =	simm.s32 $0xE000  }
0x183: {  	[tilespmem:s24], [sflag:$0x4] =	stream.indirect_vreg.gather [hbm4b:s5+s3], $0x80, v3, vm0, $0xb8;
	[tilespmem:$0x1C800] =	vst v63  }
0x184: {  	v3 =	vld [tilespmem:s23+$0xFFFFFFA0];
	_ =	sdelay $0x4  }
0x185: {  	v57 =	vshll.u32 v3, $0x2  }
0x186: {  	v3 =	vand.u32 $0x7, v3;
	v4 =	vand.u32 $0xFFFFFFE0, v57  }
0x187: {  	v3 =	vor.u32 v3, v4  }
0x188: {  	v4 =	vperm.xlane v3, v0;
	_ =	sdelay $0x1  }
0x189: {  	v4 =	vadd.s32 v1, v4;
	_ =	sdelay $0x1  }
0x18a: {  	v3 =	vperm.xlane v3, v2;
	_ =	sdelay $0x1  }
0x18b: {  	s24 =	simm.s32 $0xE800;
	v3 =	vadd.s32 v1, v3  }
0x18c: {  	[tilespmem:s24], [sflag:$0x4] =	stream.indirect_vreg.gather [hbm4b:s1+s3], $0x80, v4, vm0, $0xb8;
	[tilespmem:$0x1C800] =	vst v63  }
0x18d: {  	s24 =	simm.s32 $0xF000  }
0x18e: {  	[tilespmem:s24], [sflag:$0x4] =	stream.indirect_vreg.gather [hbm4b:s5+s3], $0x80, v4, vm0, $0xb8;
	[tilespmem:$0x1C800] =	vst v63  }
0x18f: {  	s24 =	simm.s32 $0xF800  }
0x190: {  	[tilespmem:s24], [sflag:$0x4] =	stream.indirect_vreg.gather [hbm4b:s1+s3], $0x80, v3, vm0, $0xb8;
	[tilespmem:$0x1C800] =	vst v63  }
0x191: {  	s24 =	simm.s32 $0x10000  }
0x192: {  	[tilespmem:s24], [sflag:$0x4] =	stream.indirect_vreg.gather [hbm4b:s5+s3], $0x80, v3, vm0, $0xb8;
	[tilespmem:$0x1C800] =	vst v63  }
0x193: {  	_ =	swait.ge [sflag:s11], $0x4000  }
0x194: {  	[sflag:s11] =	ssyncset.done $0x0  }
0x195: {  	[sflag:s11] =	ssyncadd.s32 $0xFFFFC000  }
0x196: {  	v3 =	vld [tilespmem:s23+$0xFFFFFFB0];
	_ =	sdelay $0x4  }
0x197: {  	v58 =	vshll.u32 v3, $0x2  }
0x198: {  	v3 =	vand.u32 $0x7, v3;
	v4 =	vand.u32 $0xFFFFFFE0, v58  }
0x199: {  	v3 =	vor.u32 v3, v4  }
0x19a: {  	v4 =	vperm.xlane v3, v0;
	_ =	sdelay $0x1  }
0x19b: {  	v4 =	vadd.s32 v1, v4;
	_ =	sdelay $0x1  }
0x19c: {  	v3 =	vperm.xlane v3, v2;
	_ =	sdelay $0x1  }
0x19d: {  	v3 =	vadd.s32 v1, v3  }
0x19e: {  	[tilespmem:s26], [sflag:$0x5] =	stream.indirect_vreg.gather [hbm4b:s1+s3], $0x80, v4, vm0, $0xb8;
	[tilespmem:$0x1C800] =	vst v63  }
0x19f: {  	s26 =	simm.s32 $0x11000  }
0x1a0: {  	[tilespmem:s26], [sflag:$0x5] =	stream.indirect_vreg.gather [hbm4b:s5+s3], $0x80, v4, vm0, $0xb8;
	[tilespmem:$0x1C800] =	vst v63  }
0x1a1: {  	s26 =	simm.s32 $0x11800  }
0x1a2: {  	[tilespmem:s26], [sflag:$0x5] =	stream.indirect_vreg.gather [hbm4b:s1+s3], $0x80, v3, vm0, $0xb8;
	[tilespmem:$0x1C800] =	vst v63  }
0x1a3: {  	s26 =	simm.s32 $0x12000  }
0x1a4: {  	[tilespmem:s26], [sflag:$0x5] =	stream.indirect_vreg.gather [hbm4b:s5+s3], $0x80, v3, vm0, $0xb8;
	[tilespmem:$0x1C800] =	vst v63  }
0x1a5: {  	v3 =	vld [tilespmem:s23+$0xFFFFFFC0];
	_ =	sdelay $0x4  }
0x1a6: {  	v59 =	vshll.u32 v3, $0x2  }
0x1a7: {  	v3 =	vand.u32 $0x7, v3;
	v4 =	vand.u32 $0xFFFFFFE0, v59  }
0x1a8: {  	v3 =	vor.u32 v3, v4  }
0x1a9: {  	v4 =	vperm.xlane v3, v0;
	_ =	sdelay $0x1  }
0x1aa: {  	v4 =	vadd.s32 v1, v4;
	_ =	sdelay $0x1  }
0x1ab: {  	v3 =	vperm.xlane v3, v2;
	_ =	sdelay $0x1  }
0x1ac: {  	s26 =	simm.s32 $0x12800;
	v3 =	vadd.s32 v1, v3  }
0x1ad: {  	[tilespmem:s26], [sflag:$0x5] =	stream.indirect_vreg.gather [hbm4b:s1+s3], $0x80, v4, vm0, $0xb8;
	[tilespmem:$0x1C800] =	vst v63  }
0x1ae: {  	s26 =	simm.s32 $0x13000  }
0x1af: {  	[tilespmem:s26], [sflag:$0x5] =	stream.indirect_vreg.gather [hbm4b:s5+s3], $0x80, v4, vm0, $0xb8;
	[tilespmem:$0x1C800] =	vst v63  }
0x1b0: {  	s26 =	simm.s32 $0x13800  }
0x1b1: {  	[tilespmem:s26], [sflag:$0x5] =	stream.indirect_vreg.gather [hbm4b:s1+s3], $0x80, v3, vm0, $0xb8;
	[tilespmem:$0x1C800] =	vst v63  }
0x1b2: {  	s26 =	simm.s32 $0x14000  }
0x1b3: {  	[tilespmem:s26], [sflag:$0x5] =	stream.indirect_vreg.gather [hbm4b:s5+s3], $0x80, v3, vm0, $0xb8;
	[tilespmem:$0x1C800] =	vst v63  }
0x1b4: {  	_ =	swait.ge [sflag:s21], $0x4000  }
0x1b5: {  	[sflag:s21] =	ssyncset.done $0x0  }
0x1b6: {  	[sflag:s21] =	ssyncadd.s32 $0xFFFFC000  }
0x1b7: {  	v3 =	vld [tilespmem:s23+$0xFFFFFFD0];
	_ =	sdelay $0x4  }
0x1b8: {  	v60 =	vshll.u32 v3, $0x2  }
0x1b9: {  	v3 =	vand.u32 $0x7, v3;
	v4 =	vand.u32 $0xFFFFFFE0, v60  }
0x1ba: {  	v3 =	vor.u32 v3, v4  }
0x1bb: {  	v4 =	vperm.xlane v3, v0;
	_ =	sdelay $0x1  }
0x1bc: {  	v4 =	vadd.s32 v1, v4;
	_ =	sdelay $0x1  }
0x1bd: {  	v3 =	vperm.xlane v3, v2;
	_ =	sdelay $0x1  }
0x1be: {  	v3 =	vadd.s32 v1, v3  }
0x1bf: {  	[tilespmem:s12], [sflag:$0x6] =	stream.indirect_vreg.gather [hbm4b:s1+s3], $0x80, v4, vm0, $0xb8;
	[tilespmem:$0x1C800] =	vst v63  }
0x1c0: {  	s12 =	simm.s32 $0x15000  }
0x1c1: {  	[tilespmem:s12], [sflag:$0x6] =	stream.indirect_vreg.gather [hbm4b:s5+s3], $0x80, v4, vm0, $0xb8;
	[tilespmem:$0x1C800] =	vst v63  }
0x1c2: {  	s12 =	simm.s32 $0x15800  }
0x1c3: {  	[tilespmem:s12], [sflag:$0x6] =	stream.indirect_vreg.gather [hbm4b:s1+s3], $0x80, v3, vm0, $0xb8;
	[tilespmem:$0x1C800] =	vst v63  }
0x1c4: {  	s12 =	simm.s32 $0x16000  }
0x1c5: {  	[tilespmem:s12], [sflag:$0x6] =	stream.indirect_vreg.gather [hbm4b:s5+s3], $0x80, v3, vm0, $0xb8;
	[tilespmem:$0x1C800] =	vst v63  }
0x1c6: {  	v3 =	vld [tilespmem:s23+$0xFFFFFFE0];
	_ =	sdelay $0x4  }
0x1c7: {  	v61 =	vshll.u32 v3, $0x2  }
0x1c8: {  	v3 =	vand.u32 $0x7, v3;
	v4 =	vand.u32 $0xFFFFFFE0, v61  }
0x1c9: {  	v3 =	vor.u32 v3, v4  }
0x1ca: {  	v4 =	vperm.xlane v3, v0;
	_ =	sdelay $0x1  }
0x1cb: {  	v4 =	vadd.s32 v1, v4;
	_ =	sdelay $0x1  }
0x1cc: {  	v3 =	vperm.xlane v3, v2;
	_ =	sdelay $0x1  }
0x1cd: {  	s12 =	simm.s32 $0x16800;
	v3 =	vadd.s32 v1, v3  }
0x1ce: {  	[tilespmem:s12], [sflag:$0x6] =	stream.indirect_vreg.gather [hbm4b:s1+s3], $0x80, v4, vm0, $0xb8;
	[tilespmem:$0x1C800] =	vst v63  }
0x1cf: {  	s12 =	simm.s32 $0x17000  }
0x1d0: {  	[tilespmem:s12], [sflag:$0x6] =	stream.indirect_vreg.gather [hbm4b:s5+s3], $0x80, v4, vm0, $0xb8;
	[tilespmem:$0x1C800] =	vst v63  }
0x1d1: {  	s12 =	simm.s32 $0x17800  }
0x1d2: {  	[tilespmem:s12], [sflag:$0x6] =	stream.indirect_vreg.gather [hbm4b:s1+s3], $0x80, v3, vm0, $0xb8;
	[tilespmem:$0x1C800] =	vst v63  }
0x1d3: {  	s12 =	simm.s32 $0x18000  }
0x1d4: {  	[tilespmem:s12], [sflag:$0x6] =	stream.indirect_vreg.gather [hbm4b:s5+s3], $0x80, v3, vm0, $0xb8;
	[tilespmem:$0x1C800] =	vst v63  }
0x1d5: {  	_ =	swait.ge [sflag:s22], $0x4000  }
0x1d6: {  	[sflag:s22] =	ssyncset.done $0x0  }
0x1d7: {  	[sflag:s22] =	ssyncadd.s32 $0xFFFFC000  }
0x1d8: {  	v3 =	vld [tilespmem:s23+$0xFFFFFFF0];
	_ =	sdelay $0x4  }
0x1d9: {  	v62 =	vshll.u32 v3, $0x2  }
0x1da: {  	v3 =	vand.u32 $0x7, v3;
	v4 =	vand.u32 $0xFFFFFFE0, v62  }
0x1db: {  	v3 =	vor.u32 v3, v4  }
0x1dc: {  	v4 =	vperm.xlane v3, v0;
	_ =	sdelay $0x1  }
0x1dd: {  	v4 =	vadd.s32 v1, v4;
	_ =	sdelay $0x1  }
0x1de: {  	v3 =	vperm.xlane v3, v2;
	_ =	sdelay $0x1  }
0x1df: {  	v3 =	vadd.s32 v1, v3  }
0x1e0: {  	[tilespmem:s25], [sflag:$0x7] =	stream.indirect_vreg.gather [hbm4b:s1+s3], $0x80, v4, vm0, $0xb8;
	[tilespmem:$0x1C800] =	vst v63  }
0x1e1: {  	s25 =	simm.s32 $0x19000  }
0x1e2: {  	[tilespmem:s25], [sflag:$0x7] =	stream.indirect_vreg.gather [hbm4b:s5+s3], $0x80, v4, vm0, $0xb8;
	[tilespmem:$0x1C800] =	vst v63  }
0x1e3: {  	s25 =	simm.s32 $0x19800  }
0x1e4: {  	[tilespmem:s25], [sflag:$0x7] =	stream.indirect_vreg.gather [hbm4b:s1+s3], $0x80, v3, vm0, $0xb8;
	[tilespmem:$0x1C800] =	vst v63  }
0x1e5: {  	s25 =	simm.s32 $0x1A000  }
0x1e6: {  	[tilespmem:s25], [sflag:$0x7] =	stream.indirect_vreg.gather [hbm4b:s5+s3], $0x80, v3, vm0, $0xb8;
	[tilespmem:$0x1C800] =	vst v63  }
0x1e7: {  	v3 =	vld [tilespmem:s23+$0x0];
	_ =	sdelay $0x4  }
0x1e8: {  	v63 =	vshll.u32 v3, $0x2  }
0x1e9: {  	v3 =	vand.u32 $0x7, v3;
	v4 =	vand.u32 $0xFFFFFFE0, v63  }
0x1ea: {  	v3 =	vor.u32 v3, v4  }
0x1eb: {  	v4 =	vperm.xlane v3, v0;
	_ =	sdelay $0x1  }
0x1ec: {  	v4 =	vadd.s32 v1, v4;
	_ =	sdelay $0x2  }
0x1ed: {  	v3 =	vperm.xlane v3, v2;
	_ =	sdelay $0x1  }
0x1ee: {  	v3 =	vadd.s32 v1, v3;
	[tilespmem:s29], [sflag:$0x7] =	stream.indirect_vreg.gather [hbm4b:s1+s3], $0x80, v4, vm0, $0xb8;
	[tilespmem:$0x1C800] =	vst v63  }
0x1ef: {  	p0 =	sne.s32 s14, $0x18800  }
0x1f0: {  	[tilespmem:s30], [sflag:$0x7] =	stream.indirect_vreg.gather [hbm4b:s5+s3], $0x80, v4, vm0, $0xb8;
	[tilespmem:$0x1C800] =	vst v63  }
.Ltmp0:
0x1f1: {  	s14 =	sadd.s32 $0x3800, s14;
	s2 =	simm.s32 $0x4800;
	(pc) =	sbr.rel @p0 .LBB2_2-.Ltmp0, $4  }
0x1f2: {  	s16 =	simm.s32 $0x8800;
	s15 =	simm.s32 $0xC800;
	s24 =	simm.s32 $0x10800  }
0x1f3: {  	[tilespmem:s28], [sflag:$0x7] =	stream.indirect_vreg.gather [hbm4b:s1+s3], $0x80, v3, vm0, $0xb8;
	[tilespmem:$0x1C800] =	vst v63  }
0x1f4: {  	s26 =	simm.s32 $0x14800;
	s12 =	simm.s32 $0x18800;
	s23 =	sadd.s32 $0xE0, s23  }
0x1f5: {  	[tilespmem:s18], [sflag:$0x7] =	stream.indirect_vreg.gather [hbm4b:s5+s3], $0x80, v3, vm0, $0xb8;
	[tilespmem:$0x1C800] =	vst v63  }
0x1f6: {  	_ =	swait.ge [sflag:s31], $0x4000  }
0x1f7: {  	[sflag:s31] =	ssyncset.done $0x0  }
0x1f8: {  	s18 =	simm.s32 $0x800;
	s14 =	rddreg [dreg:$0x6];
	[sflag:s31] =	ssyncadd.s32 $0xFFFFC000  }
0x1f9: {  	[hbm4b:s14+s3] =	stream.linear.scatter [tilespmem:s18], [sflag:$0x8], $0x4000, $0x38;
	[tilespmem:$0x1C800] =	vst v63  }
0x1fa: {  	_ =	swait.ge [sflag:s0], $0x4000  }
0x1fb: {  	[sflag:s0] =	ssyncset.done $0x0  }
0x1fc: {  	s23 =	rddreg [dreg:$0x7];
	[sflag:s0] =	ssyncadd.s32 $0xFFFFC000  }
0x1fd: {  	[hbm4b:s23+s3] =	stream.linear.scatter [tilespmem:s2], [sflag:$0x9], $0x4000, $0x38;
	[tilespmem:$0x1C800] =	vst v63  }
0x1fe: {  	_ =	swait.ge [sflag:s4], $0x4000  }
0x1ff: {  	[sflag:s4] =	ssyncset.done $0x0  }
0x200: {  	s25 =	rddreg [dreg:$0x8];
	[sflag:s4] =	ssyncadd.s32 $0xFFFFC000  }
0x201: {  	[hbm4b:s25+s3] =	stream.linear.scatter [tilespmem:s16], [sflag:$0xA], $0x4000, $0x38;
	[tilespmem:$0x1C800] =	vst v63  }
0x202: {  	_ =	swait.ge [sflag:s6], $0x4000  }
0x203: {  	[sflag:s6] =	ssyncset.done $0x0  }
0x204: {  	s23 =	rddreg [dreg:$0x9];
	[sflag:s6] =	ssyncadd.s32 $0xFFFFC000  }
0x205: {  	[hbm4b:s23+s3] =	stream.linear.scatter [tilespmem:s15], [sflag:$0xB], $0x4000, $0x38;
	[tilespmem:$0x1C800] =	vst v63  }
0x206: {  	_ =	swait.ge [sflag:s17], $0x4000  }
0x207: {  	[sflag:s17] =	ssyncset.done $0x0  }
0x208: {  	s25 =	rddreg [dreg:$0xa];
	[sflag:s17] =	ssyncadd.s32 $0xFFFFC000  }
0x209: {  	[hbm4b:s25+s3] =	stream.linear.scatter [tilespmem:s24], [sflag:$0xC], $0x4000, $0x38;
	[tilespmem:$0x1C800] =	vst v63  }
0x20a: {  	_ =	swait.ge [sflag:s9], $0x4000  }
0x20b: {  	[sflag:s9] =	ssyncset.done $0x0  }
0x20c: {  	s23 =	rddreg [dreg:$0xb];
	[sflag:s9] =	ssyncadd.s32 $0xFFFFC000  }
0x20d: {  	[hbm4b:s23+s3] =	stream.linear.scatter [tilespmem:s26], [sflag:$0xD], $0x4000, $0x38;
	[tilespmem:$0x1C800] =	vst v63  }
0x20e: {  	_ =	swait.ge [sflag:s10], $0x4000  }
0x20f: {  	[sflag:s10] =	ssyncset.done $0x0  }
0x210: {  	s25 =	rddreg [dreg:$0xc];
	[sflag:s10] =	ssyncadd.s32 $0xFFFFC000  }
0x211: {  	[hbm4b:s25+s3] =	stream.linear.scatter [tilespmem:s12], [sflag:$0xE], $0x4000, $0x38;
	[tilespmem:$0x1C800] =	vst v63  }
0x212: {  	_ =	swait.ge [sflag:s7], $0x4000  }
0x213: {  	[sflag:s7] =	ssyncset.done $0x0  }
0x214: {  	[sflag:s7] =	ssyncadd.s32 $0xFFFFC000  }
0x215: {  	v3 =	vld [tilespmem:$0x7E0];
	_ =	sdelay $0x4  }
0x216: {  	v4 =	vshll.u32 v3, $0x2  }
0x217: {  	v3 =	vand.u32 $0x7, v3;
	v4 =	vand.u32 $0xFFFFFFE0, v4  }
0x218: {  	v3 =	vor.u32 v3, v4  }
0x219: {  	v4 =	vperm.xlane v3, v0;
	_ =	sdelay $0x1  }
0x21a: {  	v4 =	vadd.s32 v1, v4;
	_ =	sdelay $0x1  }
0x21b: {  	v3 =	vperm.xlane v3, v2;
	_ =	sdelay $0x1  }
0x21c: {  	v3 =	vadd.s32 v1, v3  }
0x21d: {  	[tilespmem:s18], [sflag:$0x1] =	stream.indirect_vreg.gather [hbm4b:s1+s3], $0x80, v4, vm0, $0xb8;
	[tilespmem:$0x1C800] =	vst v63  }
0x21e: {  	s23 =	simm.s32 $0x1000  }
0x21f: {  	[tilespmem:s23], [sflag:$0x1] =	stream.indirect_vreg.gather [hbm4b:s5+s3], $0x80, v4, vm0, $0xb8;
	[tilespmem:$0x1C800] =	vst v63  }
0x220: {  	s25 =	simm.s32 $0x1800  }
0x221: {  	[tilespmem:s25], [sflag:$0x1] =	stream.indirect_vreg.gather [hbm4b:s1+s3], $0x80, v3, vm0, $0xb8;
	[tilespmem:$0x1C800] =	vst v63  }
0x222: {  	s23 =	simm.s32 $0x2000  }
0x223: {  	[tilespmem:s23], [sflag:$0x1] =	stream.indirect_vreg.gather [hbm4b:s5+s3], $0x80, v3, vm0, $0xb8;
	[tilespmem:$0x1C800] =	vst v63  }
0x224: {  	v3 =	vld [tilespmem:$0x7F0];
	_ =	sdelay $0x4  }
0x225: {  	v63 =	vshll.u32 v3, $0x2  }
0x226: {  	v3 =	vand.u32 $0x7, v3;
	v4 =	vand.u32 $0xFFFFFFE0, v63  }
0x227: {  	v3 =	vor.u32 v3, v4  }
0x228: {  	v4 =	vperm.xlane v3, v0;
	_ =	sdelay $0x1  }
0x229: {  	v4 =	vadd.s32 v1, v4;
	_ =	sdelay $0x1  }
0x22a: {  	v3 =	vperm.xlane v3, v2;
	_ =	sdelay $0x1  }
0x22b: {  	s25 =	simm.s32 $0x2800;
	v3 =	vadd.s32 v1, v3  }
0x22c: {  	[tilespmem:s25], [sflag:$0x1] =	stream.indirect_vreg.gather [hbm4b:s1+s3], $0x80, v4, vm0, $0xb8;
	[tilespmem:$0x1C800] =	vst v63  }
0x22d: {  	s23 =	simm.s32 $0x3000  }
0x22e: {  	[tilespmem:s23], [sflag:$0x1] =	stream.indirect_vreg.gather [hbm4b:s5+s3], $0x80, v4, vm0, $0xb8;
	[tilespmem:$0x1C800] =	vst v63  }
0x22f: {  	s25 =	simm.s32 $0x3800  }
0x230: {  	[tilespmem:s25], [sflag:$0x1] =	stream.indirect_vreg.gather [hbm4b:s1+s3], $0x80, v3, vm0, $0xb8;
	[tilespmem:$0x1C800] =	vst v63  }
0x231: {  	s23 =	simm.s32 $0x4000  }
0x232: {  	[tilespmem:s23], [sflag:$0x1] =	stream.indirect_vreg.gather [hbm4b:s5+s3], $0x80, v3, vm0, $0xb8;
	[tilespmem:$0x1C800] =	vst v63  }
0x233: {  	_ =	swait.ge [sflag:s31], $0x4000  }
0x234: {  	[sflag:s31] =	ssyncset.done $0x0  }
0x235: {  	s25 =	rddreg [dreg:$0xd];
	[sflag:s31] =	ssyncadd.s32 $0xFFFFC000  }
0x236: {  	[hbm4b:s25+s3] =	stream.linear.scatter [tilespmem:s18], [sflag:$0x8], $0x4000, $0x38;
	[tilespmem:$0x1C800] =	vst v63  }
0x237: {  	_ =	swait.ge [sflag:s7], $0x4000  }
0x238: {  	[sflag:s7] =	ssyncset.done $0x0  }
0x239: {  	[sflag:s7] =	ssyncadd.s32 $0xFFFFC000  }
0x23a: {  	_ =	swait.ge [sflag:s8], $0x4000  }
0x23b: {  	[sflag:s8] =	ssyncset.done $0x0  }
0x23c: {  	[sflag:s8] =	ssyncadd.s32 $0xFFFFC000  }
0x23d: {  	_ =	swait.ge [sflag:s19], $0x4000  }
0x23e: {  	[sflag:s19] =	ssyncset.done $0x0  }
0x23f: {  	[sflag:s19] =	ssyncadd.s32 $0xFFFFC000  }
0x240: {  	_ =	swait.ge [sflag:s20], $0x4000  }
0x241: {  	[sflag:s20] =	ssyncset.done $0x0  }
0x242: {  	[sflag:s20] =	ssyncadd.s32 $0xFFFFC000  }
0x243: {  	_ =	swait.ge [sflag:s11], $0x4000  }
0x244: {  	[sflag:s11] =	ssyncset.done $0x0  }
0x245: {  	[sflag:s11] =	ssyncadd.s32 $0xFFFFC000  }
0x246: {  	_ =	swait.ge [sflag:s21], $0x4000  }
0x247: {  	[sflag:s21] =	ssyncset.done $0x0  }
0x248: {  	[sflag:s21] =	ssyncadd.s32 $0xFFFFC000  }
0x249: {  	_ =	swait.ge [sflag:s22], $0x4000  }
0x24a: {  	s23 =	rddreg [dreg:$0xf]  }
0x24b: {  	s25 =	rddreg [dreg:$0xe];
	s18 =	sadd.s32 $0x1, s23  }
0x24c: {  	p0 =	sne.s32 s18, s25  }
.Ltmp1:
0x24d: {  	_ = 	snop;
	(pc) =	sbr.rel @p0 .LBB2_1-.Ltmp1, $4  }
0x24e: {  	_ = 	snop  }
0x24f: {  	s28 =	simm.s32 $0x800;
	s30 =	simm.s32 $0x5000;
	[sflag:s22] =	ssyncset.done $0x0  }
0x250: {  	s29 =	simm.s32 $0x6800;
	[sflag:s22] =	ssyncadd.s32 $0xFFFFC000;
	s23 =	simm.s32 $0x5800  }
0x251: {  	[dreg:$0xf] =	wrdreg s18;
	s25 =	simm.s32 $0x6000;
	s18 =	simm.s32 $0x7800  }
0x252: {  	_ =	sfence.sel $0x180000  }
0x253: {  	[bflag:$0x0] =	sbarrier.arrive $0xFFFF  }
0x254: {  	_ =	strace $0x90000047  }
0x255: {  	s0 =	stileid.u32;
	[bflag:$0x2] =	sbarrier.arrive $0xFFFF  }
0x256: {  	p0 =	sne.s32 s0, $0x0;
	s0 =	rddreg [dreg:$0x3]  }
0x257: {  	s0 =	sadd.s32 @!p0 $0x100000, s0  }
0x258: {  	[sflag:s0] =	ssyncadd.tile.s32 @!p0 $0x1;
	_ =	shalt  }
.Lfunc_end2:
_tile_overlayer_lowered:
.L_overlay_start_2:
0x259: {  	(tag) =	ssettag $0x2  }
0x25a: {  	s0 =	rddreg [dreg:$0x0];
	s2 =	stileid.u32  }
0x25b: {  	s1 =	rddreg [dreg:$0x1];
	p0 =	sne.s32 s2, $0x0  }
0x25c: {  	s3 =	rddreg [dreg:$0x2];
	[bflag:$0x3] =	sbarrier.arrive $0xFFFF;
	s2 =	simm.s32 @!p0 $0x1C0F  }
0x25d: {  	[timem:s3], [sflag:s2] =	dma.local @!p0 [hbm:s0], s1  }
0x25e: {  	s0 =	simm.s32 @!p0 $0xF  }
0x25f: {  	_ =	swait.ge @!p0 [sflag:s0], s1  }
0x260: {  	s1 =	ssub.s32 @!p0 $0x0, s1;
	[sflag:s0] =	ssyncset.done @!p0 $0x0  }
0x261: {  	[sflag:s0] =	ssyncadd.s32 @!p0 s1  }
0x262: {  	[bflag:$0x3] =	sbarrier.arrive $0xFFFF  }
0x263: {  	_ =	shalt  }

</sc_bundles>
